<compile_context>
chip_gen: v7x
topology: tpu7x:2x2x1
jax: 0.10.2.dev20260603
libtpu: 0.0.44.dev20260713+nightly
codegen_flags: <defaults>
</compile_context>

<pallas_src>
import functools

import jax
import jax.numpy as jnp
from jax import lax
from jax.experimental import pallas as pl
from jax.experimental.pallas import tpu as pltpu
from jax.experimental.pallas import tpu_sc as plsc

NC = 2
NS = 16
LANES = 16
D = 128
W = 128


@functools.cache
def _mesh():
    return plsc.VectorSubcoreMesh(
        core_axis_name="c", subcore_axis_name="s",
        num_cores=NC, num_subcores=NS)


def _loop32(n, step, body):
    def wrapped(i, carry):
        body(i * jnp.int32(step))
        return carry
    lax.fori_loop(jnp.int32(0), jnp.int32(n // step), wrapped, None)


def _zero_fill_1d(ref, n):
    def bod(i):
        ref[pl.ds(i, LANES)] = jnp.zeros((LANES,), jnp.float32)
    _loop32(n, LANES, bod)


def _zero_fill_2d(ref, rows):
    def outer(r):
        def inner(i):
            ref[r, pl.ds(i, LANES)] = jnp.zeros((LANES,), jnp.float32)
        _loop32(D, LANES, inner)
    _loop32(rows, 1, outer)


def _make_hist(npad, epad):
    per_tile = epad // (NC * NS)
    rows_per_tile = npad // NS

    @functools.partial(
        pl.kernel,
        out_type=jax.ShapeDtypeStruct((NC * npad,), jnp.float32),
        mesh=_mesh(),
        scratch_types=[
            pltpu.VMEM_SHARED((npad,), jnp.float32),
            pltpu.VMEM((W,), jnp.int32),
            pltpu.VMEM((W,), jnp.float32),
            pltpu.VMEM((rows_per_tile,), jnp.float32),
        ],
    )
    def hist_kernel(dst_hbm, h_hbm, hist_sp, idx_v, ones_v, zb_v):
        c = lax.axis_index("c")
        s = lax.axis_index("s")
        wid = c * jnp.int32(NS) + s

        def fill_ones(i):
            ones_v[pl.ds(i, LANES)] = jnp.ones((LANES,), jnp.float32)
        _loop32(W, LANES, fill_ones)
        _zero_fill_1d(zb_v, rows_per_tile)
        r0 = s * jnp.int32(rows_per_tile)
        pltpu.sync_copy(zb_v, hist_sp.at[pl.ds(r0, rows_per_tile)])
        plsc.subcore_barrier()

        base = wid * jnp.int32(per_tile)

        def hist_win(j):
            pltpu.sync_copy(dst_hbm.at[pl.ds(base + j, W)], idx_v)
            pltpu.sync_copy(ones_v, hist_sp.at[idx_v], add=True)
        _loop32(per_tile, W, hist_win)

        plsc.subcore_barrier()
        pltpu.sync_copy(hist_sp.at[pl.ds(r0, rows_per_tile)],
                        h_hbm.at[pl.ds(c * jnp.int32(npad) + r0, rows_per_tile)])

    return hist_kernel


def _make_scatter(npad, epad):
    per_tile = epad // NS
    rows_per_tile = npad // NS

    @functools.partial(
        pl.kernel,
        out_type=jax.ShapeDtypeStruct((NC * npad, D), jnp.float32),
        mesh=_mesh(),
        scratch_types=[
            pltpu.VMEM_SHARED((npad, D), jnp.float32),
            pltpu.VMEM((W,), jnp.int32),
            pltpu.VMEM((W,), jnp.int32),
            pltpu.VMEM((W, D), jnp.float32),
            pltpu.VMEM((W, D), jnp.float32),
            pltpu.SemaphoreType.DMA,
        ],
    )
    def scatter_kernel(y_hbm, src_hbm, dst_hbm, s_hbm,
                       acc_sp, sidx_v, didx_v, rows_v, zb_v, sem):
        c = lax.axis_index("c")
        s = lax.axis_index("s")
        tile_r0 = s * jnp.int32(rows_per_tile)

        _zero_fill_2d(zb_v, W)

        def zero_chunk(j):
            pltpu.sync_copy(zb_v, acc_sp.at[pl.ds(tile_r0 + j, W), :])
        _loop32(rows_per_tile, W, zero_chunk)
        plsc.subcore_barrier()

        ebase = c * jnp.int32(epad) + s * jnp.int32(per_tile)
        dbase = s * jnp.int32(per_tile)

        def win(j):
            pltpu.sync_copy(src_hbm.at[pl.ds(ebase + j, W)], sidx_v)
            pltpu.sync_copy(dst_hbm.at[pl.ds(dbase + j, W)], didx_v)
            pltpu.async_copy(y_hbm.at[sidx_v], rows_v, sem).wait()
            pltpu.sync_copy(rows_v, acc_sp.at[didx_v], add=True)
        _loop32(per_tile, W, win)

        plsc.subcore_barrier()

        out_r0 = c * jnp.int32(npad) + tile_r0

        def wchunk(j):
            pltpu.sync_copy(acc_sp.at[pl.ds(tile_r0 + j, W), :],
                            s_hbm.at[pl.ds(out_r0 + j, W), :])
        _loop32(rows_per_tile, W, wchunk)

    return scatter_kernel


_DOT_KW = dict(preferred_element_type=jnp.float32,
               precision=lax.Precision.HIGHEST)


def _prep_body(xs_ref, xt_ref, h0_ref, h1_ref, wp_ref, wg_ref,
               y_ref, d_ref):
    deg = h0_ref[...] + h1_ref[...] + 1.0
    dval = lax.rsqrt(deg)
    d_ref[...] = dval
    xs = xs_ref[...]
    y1 = lax.dot_general(xs, wp_ref[...], (((1,), (1,)), ((), ())), **_DOT_KW)
    y_ref[0] = y1 * dval
    y2 = lax.dot_general(xs + xt_ref[...], wg_ref[...],
                         (((1,), (1,)), ((), ())), **_DOT_KW)
    y_ref[1] = y2 * dval


def _make_prep(npad, rb):
    grid = npad // rb
    row_spec = pl.BlockSpec((rb, D), lambda i: (i, 0))
    col_spec = pl.BlockSpec((rb, 1), lambda i: (i, 0))
    w_spec = pl.BlockSpec((D, D), lambda i: (0, 0))
    return pl.pallas_call(
        _prep_body,
        grid=(grid,),
        in_specs=[row_spec, row_spec, col_spec, col_spec, w_spec, w_spec],
        out_specs=[pl.BlockSpec((2, rb, D), lambda i: (0, i, 0)), col_spec],
        out_shape=(jax.ShapeDtypeStruct((2, npad, D), jnp.float32),
                   jax.ShapeDtypeStruct((npad, 1), jnp.float32)),
    )


def _make_final(n, npad, rb):
    grid = n // rb
    nrows_f = float(n)
    off = npad // rb

    def body(s1_ref, y1_ref, s2_ref, y2_ref, d_ref, xs_ref, xo_ref,
             bp_ref, bg_ref, es_ref, et_ref, cs_ref, ct_ref, accs, acct):
        i = pl.program_id(0)
        dval = d_ref[...]
        xs = xs_ref[...]
        es = dval * (s1_ref[...] + y1_ref[...]) + bp_ref[...] + xs
        et = xo_ref[...] + dval * (s2_ref[...] + y2_ref[...]) + bg_ref[...] + xs
        es_ref[...] = es
        et_ref[...] = et
        ps = jnp.sum(es, axis=0, keepdims=True)
        pt = jnp.sum(et)

        @pl.when(i == 0)
        def _():
            accs[...] = jnp.zeros_like(accs)
            acct[0] = 0.0

        accs[0:1, :] += ps
        acct[0] += pt

        @pl.when(i == grid - 1)
        def _():
            cs_ref[...] = accs[0:1, :] * (1.0 / nrows_f)
            ct_ref[...] = jnp.full((1, 1), acct[0] * (1.0 / (nrows_f * D)),
                                   jnp.float32)

    lo_spec = pl.BlockSpec((rb, D), lambda i: (i, 0))
    hi_spec = pl.BlockSpec((rb, D), lambda i: (i + off, 0))
    col_spec = pl.BlockSpec((rb, 1), lambda i: (i, 0))
    b_spec = pl.BlockSpec((1, D), lambda i: (0, 0))
    return pl.pallas_call(
        body,
        grid=(grid,),
        in_specs=[lo_spec, lo_spec, hi_spec, hi_spec, col_spec,
                  lo_spec, lo_spec, b_spec, b_spec],
        out_specs=[lo_spec, lo_spec,
                   pl.BlockSpec((1, D), lambda i: (0, 0)),
                   pl.BlockSpec((1, 1), lambda i: (0, 0))],
        out_shape=(jax.ShapeDtypeStruct((n, D), jnp.float32),
                   jax.ShapeDtypeStruct((n, D), jnp.float32),
                   jax.ShapeDtypeStruct((1, D), jnp.float32),
                   jax.ShapeDtypeStruct((1, 1), jnp.float32)),
        scratch_shapes=[pltpu.VMEM((8, D), jnp.float32),
                        pltpu.SMEM((1,), jnp.float32)],
    )


def kernel(x_sentance, x_token, x_token_ori, edge_index,
           W_proj, b_proj, W_gnn, b_gnn):
    with jax.enable_x64(False):
        return _kernel_impl(x_sentance, x_token, x_token_ori, edge_index,
                            W_proj, b_proj, W_gnn, b_gnn)


def _kernel_impl(x_sentance, x_token, x_token_ori, edge_index,
                 W_proj, b_proj, W_gnn, b_gnn):
    n, d = x_sentance.shape
    e = edge_index.shape[1]
    assert d == D
    npad = -(-n // 2048) * 2048
    ewin = NC * NS * W
    epad = -(-e // ewin) * ewin

    src = edge_index[0].astype(jnp.int32)
    dst = edge_index[1].astype(jnp.int32)
    npadrows = npad - n
    pad_idx = n + (jnp.arange(epad - e, dtype=jnp.int32) % npadrows)
    src_p = jnp.concatenate([src, pad_idx])
    dst_p = jnp.concatenate([dst, pad_idx])
    src_cc = jnp.concatenate([src_p, src_p + jnp.int32(npad)])
    zrows = jnp.zeros((npadrows, D), jnp.float32)
    xs_p = jnp.concatenate([x_sentance, zrows])
    xt_p = jnp.concatenate([x_token, zrows])

    h = _make_hist(npad, epad)(dst_p)
    hcol = h.reshape(NC * npad, 1)
    ycat, dcol = _make_prep(npad, 80)(
        xs_p, xt_p, hcol[:npad], hcol[npad:], W_proj, W_gnn)
    y_flat = ycat.reshape(NC * npad, D)
    s_flat = _make_scatter(npad, epad)(y_flat, src_cc, dst_p)
    emb_s, emb_t, ctx_s, ctx_t = _make_final(n, npad, 80)(
        s_flat, y_flat, s_flat, y_flat, dcol, x_sentance, x_token_ori,
        b_proj.reshape(1, D), b_gnn.reshape(1, D))
    return emb_s, emb_t, ctx_s.reshape(D), ctx_t.reshape(())

# --- scband reference (transcript-rebuilt; emitter-appended) ---
"""Pipeline reference for scband-ours-method-87316685127965 (READ-ONLY COPY).

The authoritative reference and input builder live on the scoring server;
editing this copy changes nothing except your own understanding.
"""

import jax
jax.config.update('jax_enable_x64', True)
import jax.numpy as jnp
import numpy as np

N = 10000
E = 320000
D = 128


def setup_inputs(seed: int = 0) -> dict:
    key = jax.random.key(seed)
    ks = jax.random.split(key, 8)
    x_sentance = jax.random.normal(ks[0], (N, D), dtype=jnp.float32)
    x_token = jax.random.normal(ks[1], (N, D), dtype=jnp.float32)
    x_token_ori = jax.random.normal(ks[2], (N, D), dtype=jnp.float32)
    edge_index = jax.random.randint(ks[3], (2, E), 0, N, dtype=jnp.int64)
    # GCNConv weights: torch lin.weight has shape [out, in], init normal std=0.0005
    W_proj = (0.0005 * jax.random.normal(ks[4], (D, D))).astype(jnp.float32)
    b_proj = jnp.zeros((D,), dtype=jnp.float32)
    W_gnn = (0.0005 * jax.random.normal(ks[5], (D, D))).astype(jnp.float32)
    b_gnn = jnp.zeros((D,), dtype=jnp.float32)
    return {
        'x_sentance': x_sentance,
        'x_token': x_token,
        'x_token_ori': x_token_ori,
        'edge_index': edge_index,
        'W_proj': W_proj,
        'b_proj': b_proj,
        'W_gnn': W_gnn,
        'b_gnn': b_gnn,
    }


def _gcn_conv(x, edge_index, W, b):
    # PyG GCNConv with add_self_loops=True, symmetric normalization
    n = x.shape[0]
    loop = jnp.arange(n, dtype=edge_index.dtype)
    src = jnp.concatenate([edge_index[0], loop])
    dst = jnp.concatenate([edge_index[1], loop])
    deg = jnp.zeros((n,), dtype=x.dtype).at[dst].add(1.0)
    deg_inv_sqrt = jnp.where(deg > 0, 1.0 / jnp.sqrt(deg), 0.0)
    norm = deg_inv_sqrt[src] * deg_inv_sqrt[dst]
    xw = x @ W.T
    msg = xw[src] * norm[:, None]
    out = jnp.zeros_like(xw).at[dst].add(msg)
    return out + b


def reference(x_sentance, x_token, x_token_ori, edge_index, W_proj, b_proj, W_gnn, b_gnn):
    # encode
    emb_sentance = _gcn_conv(x_sentance, edge_index, W_proj, b_proj) + x_sentance
    emb_token_in = x_sentance + x_token
    emb_token_nei = _gcn_conv(emb_token_in, edge_index, W_gnn, b_gnn) + x_sentance
    # forward (batch=None path)
    context_sentance = emb_sentance.mean(axis=0)
    # torch builds a list [x_token_ori[i] + emb_token_nei[i]] -> elementwise add
    emb_token = x_token_ori + emb_token_nei
    # torch: stack([t.mean(dim=0) for t in emb_token]).mean(dim=0) where each t is a
    # 1-D row vector -> per-row scalar mean, then mean over rows == global mean
    context_token = emb_token.mean(axis=1).mean(axis=0)
    return (emb_sentance, emb_token, context_sentance, context_token)

if __name__ == "__main__":
    import jax
    _d = setup_inputs()
    print(jax.jit(kernel)(*tuple(_d.values())))

</pallas_src>

<mosaic_0001>
#map = affine_map<(d0, d1) -> (0, 0)>
#map1 = affine_map<(d0, d1) -> (0)>
module attributes {stable_mosaic.version = 14 : i64} {
  func.func @scatter_kernel(%arg0: i32, %arg1: i32, %arg2: memref<20480x128xf32, #tpu.memory_space<hbm>>, %arg3: memref<647168xi32, #tpu.memory_space<hbm>>, %arg4: memref<323584xi32, #tpu.memory_space<hbm>>, %arg5: memref<20480x128xf32, #tpu.memory_space<hbm>>, %arg6: memref<10240x128xf32, #tpu.memory_space<vmem_shared>>, %arg7: memref<128xi32, #tpu.memory_space<vmem>>, %arg8: memref<128xi32, #tpu.memory_space<vmem>>, %arg9: memref<128x128xf32, #tpu.memory_space<vmem>>, %arg10: memref<128x128xf32, #tpu.memory_space<vmem>>, %arg11: memref<!tpu.dma_semaphore, #tpu.memory_space<semaphore_mem>>) attributes {dimension_semantics = [#tpu.dimension_semantics<core_parallel>, #tpu.dimension_semantics<subcore_parallel>], iteration_bounds = array<i64: 2, 16>, scalar_prefetch = 0 : i64, scratch_operands = 6 : i64, tpu.core_type = #tpu.core_type<sc_vector_subcore>, window_params = [{transform_indices = #map}, {transform_indices = #map1}, {transform_indices = #map1}, {transform_indices = #map}]} {
    %mul3A = arith.constant 640 : i32
    %mul3A_0 = arith.muli %arg1, %mul3A : i32
    %while3A = arith.constant 0 : i32
    %while3A_1 = arith.constant 128 : i32
    %while3A_2 = arith.subi %while3A_1, %while3A : i32
    %while3A_3 = arith.addi %while3A, %while3A_2 : i32
    %while3A_4 = arith.constant 1 : i32
    %while3A_5 = arith.divsi %while3A_2, %while3A_4 : i32
    %while3A_6 = arith.muli %while3A_5, %while3A_4 : i32
    %while3A_7 = arith.addi %while3A, %while3A_6 : i32
    %while3A_8 = arith.constant 1 : i32
    scf.for %while3A_50 = %while3A to %while3A_7 step %while3A_8  : i32 {
      %mul3A_51 = arith.constant 1 : i32
      %mul3A_52 = arith.muli %while3A_50, %mul3A_51 : i32
      %while3A_53 = arith.constant 0 : i32
      %while3A_54 = arith.constant 8 : i32
      %while3A_55 = arith.subi %while3A_54, %while3A_53 : i32
      %while3A_56 = arith.addi %while3A_53, %while3A_55 : i32
      %while3A_57 = arith.constant 1 : i32
      %while3A_58 = arith.divsi %while3A_55, %while3A_57 : i32
      %while3A_59 = arith.muli %while3A_58, %while3A_57 : i32
      %while3A_60 = arith.addi %while3A_53, %while3A_59 : i32
      %while3A_61 = arith.constant 1 : i32
      scf.for %while3A_63 = %while3A_53 to %while3A_60 step %while3A_61  : i32 {
        %mul3A_64 = arith.constant 16 : i32
        %mul3A_65 = arith.muli %while3A_63, %mul3A_64 : i32
        %broadcast_in_dim3A = arith.constant 0.000000e+00 : f32
        %broadcast_in_dim3A_66 = vector.broadcast %broadcast_in_dim3A : f32 to vector<16xf32>
        %swap3A = arith.index_cast %mul3A_52 : i32 to index
        %swap3A_67 = arith.index_cast %mul3A_65 : i32 to index
        %swap3A_68 = tpu.vector_load %arg10[%swap3A, %swap3A_67] {strides = array<i32>} : memref<128x128xf32, #tpu.memory_space<vmem>>, vector<1x16xf32>,
        %swap3A_69 = vector.shape_cast %swap3A_68 : vector<1x16xf32> to vector<16xf32>
        %swap3A_70 = vector.shape_cast %broadcast_in_dim3A_66 : vector<16xf32> to vector<1x16xf32>
        tpu.vector_store %arg10[%swap3A, %swap3A_67], %swap3A_70 {strides = array<i32>} : memref<128x128xf32, #tpu.memory_space<vmem>>, vector<1x16xf32>,
      }
      %while3A_62 = arith.constant 1 : i32
      scf.for %while3A_63 = %while3A_60 to %while3A_56 step %while3A_62  : i32 {
        %mul3A_64 = arith.constant 16 : i32
        %mul3A_65 = arith.muli %while3A_63, %mul3A_64 : i32
        %broadcast_in_dim3A = arith.constant 0.000000e+00 : f32
        %broadcast_in_dim3A_66 = vector.broadcast %broadcast_in_dim3A : f32 to vector<16xf32>
        %swap3A = arith.index_cast %mul3A_52 : i32 to index
        %swap3A_67 = arith.index_cast %mul3A_65 : i32 to index
        %swap3A_68 = tpu.vector_load %arg10[%swap3A, %swap3A_67] {strides = array<i32>} : memref<128x128xf32, #tpu.memory_space<vmem>>, vector<1x16xf32>,
        %swap3A_69 = vector.shape_cast %swap3A_68 : vector<1x16xf32> to vector<16xf32>
        %swap3A_70 = vector.shape_cast %broadcast_in_dim3A_66 : vector<16xf32> to vector<1x16xf32>
        tpu.vector_store %arg10[%swap3A, %swap3A_67], %swap3A_70 {strides = array<i32>} : memref<128x128xf32, #tpu.memory_space<vmem>>, vector<1x16xf32>,
      }
    }
    %while3A_9 = arith.constant 1 : i32
    scf.for %while3A_50 = %while3A_7 to %while3A_3 step %while3A_9  : i32 {
      %mul3A_51 = arith.constant 1 : i32
      %mul3A_52 = arith.muli %while3A_50, %mul3A_51 : i32
      %while3A_53 = arith.constant 0 : i32
      %while3A_54 = arith.constant 8 : i32
      %while3A_55 = arith.subi %while3A_54, %while3A_53 : i32
      %while3A_56 = arith.addi %while3A_53, %while3A_55 : i32
      %while3A_57 = arith.constant 1 : i32
      %while3A_58 = arith.divsi %while3A_55, %while3A_57 : i32
      %while3A_59 = arith.muli %while3A_58, %while3A_57 : i32
      %while3A_60 = arith.addi %while3A_53, %while3A_59 : i32
      %while3A_61 = arith.constant 1 : i32
      scf.for %while3A_63 = %while3A_53 to %while3A_60 step %while3A_61  : i32 {
        %mul3A_64 = arith.constant 16 : i32
        %mul3A_65 = arith.muli %while3A_63, %mul3A_64 : i32
        %broadcast_in_dim3A = arith.constant 0.000000e+00 : f32
        %broadcast_in_dim3A_66 = vector.broadcast %broadcast_in_dim3A : f32 to vector<16xf32>
        %swap3A = arith.index_cast %mul3A_52 : i32 to index
        %swap3A_67 = arith.index_cast %mul3A_65 : i32 to index
        %swap3A_68 = tpu.vector_load %arg10[%swap3A, %swap3A_67] {strides = array<i32>} : memref<128x128xf32, #tpu.memory_space<vmem>>, vector<1x16xf32>,
        %swap3A_69 = vector.shape_cast %swap3A_68 : vector<1x16xf32> to vector<16xf32>
        %swap3A_70 = vector.shape_cast %broadcast_in_dim3A_66 : vector<16xf32> to vector<1x16xf32>
        tpu.vector_store %arg10[%swap3A, %swap3A_67], %swap3A_70 {strides = array<i32>} : memref<128x128xf32, #tpu.memory_space<vmem>>, vector<1x16xf32>,
      }
      %while3A_62 = arith.constant 1 : i32
      scf.for %while3A_63 = %while3A_60 to %while3A_56 step %while3A_62  : i32 {
        %mul3A_64 = arith.constant 16 : i32
        %mul3A_65 = arith.muli %while3A_63, %mul3A_64 : i32
        %broadcast_in_dim3A = arith.constant 0.000000e+00 : f32
        %broadcast_in_dim3A_66 = vector.broadcast %broadcast_in_dim3A : f32 to vector<16xf32>
        %swap3A = arith.index_cast %mul3A_52 : i32 to index
        %swap3A_67 = arith.index_cast %mul3A_65 : i32 to index
        %swap3A_68 = tpu.vector_load %arg10[%swap3A, %swap3A_67] {strides = array<i32>} : memref<128x128xf32, #tpu.memory_space<vmem>>, vector<1x16xf32>,
        %swap3A_69 = vector.shape_cast %swap3A_68 : vector<1x16xf32> to vector<16xf32>
        %swap3A_70 = vector.shape_cast %broadcast_in_dim3A_66 : vector<16xf32> to vector<1x16xf32>
        tpu.vector_store %arg10[%swap3A, %swap3A_67], %swap3A_70 {strides = array<i32>} : memref<128x128xf32, #tpu.memory_space<vmem>>, vector<1x16xf32>,
      }
    }
    %while3A_10 = arith.constant 0 : i32
    %while3A_11 = arith.constant 5 : i32
    %while3A_12 = arith.subi %while3A_11, %while3A_10 : i32
    %while3A_13 = arith.addi %while3A_10, %while3A_12 : i32
    %while3A_14 = arith.constant 1 : i32
    %while3A_15 = arith.divsi %while3A_12, %while3A_14 : i32
    %while3A_16 = arith.muli %while3A_15, %while3A_14 : i32
    %while3A_17 = arith.addi %while3A_10, %while3A_16 : i32
    %while3A_18 = arith.constant 1 : i32
    scf.for %while3A_50 = %while3A_10 to %while3A_17 step %while3A_18  : i32 {
      %mul3A_51 = arith.constant 128 : i32
      %mul3A_52 = arith.muli %while3A_50, %mul3A_51 : i32
      %add3A_53 = arith.addi %mul3A_0, %mul3A_52 : i32
      "tpu.region"() ({
        %run_scoped3A = tpu.sem_alloc : memref<!tpu.dma_semaphore, #tpu.memory_space<semaphore_mem>>
        %dma_start3A = arith.constant 0 : i32
        %dma_start3A_54 = tpu.memref_slice %arg6[%add3A_53, %dma_start3A] : memref<10240x128xf32, #tpu.memory_space<vmem_shared>> -> memref<128x128xf32, #tpu.memory_space<vmem_shared>>
        %dma_start3A_55 = arith.constant 0 : i32
        %dma_start3A_56 = tpu.memref_slice %arg6[%add3A_53, %dma_start3A_55] : memref<10240x128xf32, #tpu.memory_space<vmem_shared>> -> memref<128x128xf32, #tpu.memory_space<vmem_shared>>
        tpu.enqueue_dma source(%arg10 : memref<128x128xf32, #tpu.memory_space<vmem>>) target(%dma_start3A_56 : memref<128x128xf32, #tpu.memory_space<vmem_shared>>) target_semaphore(%run_scoped3A : memref<!tpu.dma_semaphore, #tpu.memory_space<semaphore_mem>>)
        %dma_wait3A = arith.constant 0 : i32
        %dma_wait3A_57 = tpu.memref_slice %arg6[%add3A_53, %dma_wait3A] : memref<10240x128xf32, #tpu.memory_space<vmem_shared>> -> memref<128x128xf32, #tpu.memory_space<vmem_shared>>
        %dma_wait3A_58 = arith.constant 0 : i32
        %dma_wait3A_59 = tpu.memref_slice %arg6[%add3A_53, %dma_wait3A_58] : memref<10240x128xf32, #tpu.memory_space<vmem_shared>> -> memref<128x128xf32, #tpu.memory_space<vmem_shared>>
        tpu.wait_dma2 semaphore(%run_scoped3A : memref<!tpu.dma_semaphore, #tpu.memory_space<semaphore_mem>>) src(%arg10 : memref<128x128xf32, #tpu.memory_space<vmem>>) dst(%dma_wait3A_59 : memref<128x128xf32, #tpu.memory_space<vmem_shared>>)
        tpu.yield
      }) : () -> ()
    }
    %while3A_19 = arith.constant 1 : i32
    scf.for %while3A_50 = %while3A_17 to %while3A_13 step %while3A_19  : i32 {
      %mul3A_51 = arith.constant 128 : i32
      %mul3A_52 = arith.muli %while3A_50, %mul3A_51 : i32
      %add3A_53 = arith.addi %mul3A_0, %mul3A_52 : i32
      "tpu.region"() ({
        %run_scoped3A = tpu.sem_alloc : memref<!tpu.dma_semaphore, #tpu.memory_space<semaphore_mem>>
        %dma_start3A = arith.constant 0 : i32
        %dma_start3A_54 = tpu.memref_slice %arg6[%add3A_53, %dma_start3A] : memref<10240x128xf32, #tpu.memory_space<vmem_shared>> -> memref<128x128xf32, #tpu.memory_space<vmem_shared>>
        %dma_start3A_55 = arith.constant 0 : i32
        %dma_start3A_56 = tpu.memref_slice %arg6[%add3A_53, %dma_start3A_55] : memref<10240x128xf32, #tpu.memory_space<vmem_shared>> -> memref<128x128xf32, #tpu.memory_space<vmem_shared>>
        tpu.enqueue_dma source(%arg10 : memref<128x128xf32, #tpu.memory_space<vmem>>) target(%dma_start3A_56 : memref<128x128xf32, #tpu.memory_space<vmem_shared>>) target_semaphore(%run_scoped3A : memref<!tpu.dma_semaphore, #tpu.memory_space<semaphore_mem>>)
        %dma_wait3A = arith.constant 0 : i32
        %dma_wait3A_57 = tpu.memref_slice %arg6[%add3A_53, %dma_wait3A] : memref<10240x128xf32, #tpu.memory_space<vmem_shared>> -> memref<128x128xf32, #tpu.memory_space<vmem_shared>>
        %dma_wait3A_58 = arith.constant 0 : i32
        %dma_wait3A_59 = tpu.memref_slice %arg6[%add3A_53, %dma_wait3A_58] : memref<10240x128xf32, #tpu.memory_space<vmem_shared>> -> memref<128x128xf32, #tpu.memory_space<vmem_shared>>
        tpu.wait_dma2 semaphore(%run_scoped3A : memref<!tpu.dma_semaphore, #tpu.memory_space<semaphore_mem>>) src(%arg10 : memref<128x128xf32, #tpu.memory_space<vmem>>) dst(%dma_wait3A_59 : memref<128x128xf32, #tpu.memory_space<vmem_shared>>)
        tpu.yield
      }) : () -> ()
    }
    %barrier3A = arith.constant 0 : index
    tpu.barrier barrier_id(%barrier3A)
    %mul3A_20 = arith.constant 323584 : i32
    %mul3A_21 = arith.muli %arg0, %mul3A_20 : i32
    %mul3A_22 = arith.constant 20224 : i32
    %mul3A_23 = arith.muli %arg1, %mul3A_22 : i32
    %add3A = arith.addi %mul3A_21, %mul3A_23 : i32
    %mul3A_24 = arith.constant 20224 : i32
    %mul3A_25 = arith.muli %arg1, %mul3A_24 : i32
    %while3A_26 = arith.constant 0 : i32
    %while3A_27 = arith.constant 158 : i32
    %while3A_28 = arith.subi %while3A_27, %while3A_26 : i32
    %while3A_29 = arith.addi %while3A_26, %while3A_28 : i32
    %while3A_30 = arith.constant 1 : i32
    %while3A_31 = arith.divsi %while3A_28, %while3A_30 : i32
    %while3A_32 = arith.muli %while3A_31, %while3A_30 : i32
    %while3A_33 = arith.addi %while3A_26, %while3A_32 : i32
    %while3A_34 = arith.constant 1 : i32
    scf.for %while3A_50 = %while3A_26 to %while3A_33 step %while3A_34  : i32 {
      %mul3A_51 = arith.constant 128 : i32
      %mul3A_52 = arith.muli %while3A_50, %mul3A_51 : i32
      %add3A_53 = arith.addi %add3A, %mul3A_52 : i32
      "tpu.region"() ({
        %run_scoped3A = tpu.sem_alloc : memref<!tpu.dma_semaphore, #tpu.memory_space<semaphore_mem>>
        %dma_start3A_59 = tpu.memref_slice %arg3[%add3A_53] : memref<647168xi32, #tpu.memory_space<hbm>> -> memref<128xi32, #tpu.memory_space<hbm>>
        %dma_start3A_60 = tpu.memref_slice %arg3[%add3A_53] : memref<647168xi32, #tpu.memory_space<hbm>> -> memref<128xi32, #tpu.memory_space<hbm>>
        tpu.enqueue_dma source(%dma_start3A_60 : memref<128xi32, #tpu.memory_space<hbm>>) target(%arg7 : memref<128xi32, #tpu.memory_space<vmem>>) target_semaphore(%run_scoped3A : memref<!tpu.dma_semaphore, #tpu.memory_space<semaphore_mem>>)
        %dma_wait3A_61 = tpu.memref_slice %arg3[%add3A_53] : memref<647168xi32, #tpu.memory_space<hbm>> -> memref<128xi32, #tpu.memory_space<hbm>>
        %dma_wait3A_62 = tpu.memref_slice %arg3[%add3A_53] : memref<647168xi32, #tpu.memory_space<hbm>> -> memref<128xi32, #tpu.memory_space<hbm>>
        tpu.wait_dma2 semaphore(%run_scoped3A : memref<!tpu.dma_semaphore, #tpu.memory_space<semaphore_mem>>) src(%dma_wait3A_62 : memref<128xi32, #tpu.memory_space<hbm>>) dst(%arg7 : memref<128xi32, #tpu.memory_space<vmem>>)
        tpu.yield
      }) : () -> ()
      %add3A_54 = arith.addi %mul3A_25, %mul3A_52 : i32
      "tpu.region"() ({
        %run_scoped3A = tpu.sem_alloc : memref<!tpu.dma_semaphore, #tpu.memory_space<semaphore_mem>>
        %dma_start3A_59 = tpu.memref_slice %arg4[%add3A_54] : memref<323584xi32, #tpu.memory_space<hbm>> -> memref<128xi32, #tpu.memory_space<hbm>>
        %dma_start3A_60 = tpu.memref_slice %arg4[%add3A_54] : memref<323584xi32, #tpu.memory_space<hbm>> -> memref<128xi32, #tpu.memory_space<hbm>>
        tpu.enqueue_dma source(%dma_start3A_60 : memref<128xi32, #tpu.memory_space<hbm>>) target(%arg8 : memref<128xi32, #tpu.memory_space<vmem>>) target_semaphore(%run_scoped3A : memref<!tpu.dma_semaphore, #tpu.memory_space<semaphore_mem>>)
        %dma_wait3A_61 = tpu.memref_slice %arg4[%add3A_54] : memref<323584xi32, #tpu.memory_space<hbm>> -> memref<128xi32, #tpu.memory_space<hbm>>
        %dma_wait3A_62 = tpu.memref_slice %arg4[%add3A_54] : memref<323584xi32, #tpu.memory_space<hbm>> -> memref<128xi32, #tpu.memory_space<hbm>>
        tpu.wait_dma2 semaphore(%run_scoped3A : memref<!tpu.dma_semaphore, #tpu.memory_space<semaphore_mem>>) src(%dma_wait3A_62 : memref<128xi32, #tpu.memory_space<hbm>>) dst(%arg8 : memref<128xi32, #tpu.memory_space<vmem>>)
        tpu.yield
      }) : () -> ()
      %dma_start3A = arith.constant 0 : i32
      %dma_start3A_55 = arith.constant 0 : i32
      %dma_start3A_56 = tpu.memref_slice %arg2[%dma_start3A, %dma_start3A_55] : memref<20480x128xf32, #tpu.memory_space<hbm>> -> memref<20480x128xf32, #tpu.memory_space<hbm>>
      tpu.enqueue_indirect_dma source(%dma_start3A_56 : memref<20480x128xf32, #tpu.memory_space<hbm>>) target(%arg9 : memref<128x128xf32, #tpu.memory_space<vmem>>) offsets(%arg7 : memref<128xi32, #tpu.memory_space<vmem>>) semaphore(%arg11 : memref<!tpu.dma_semaphore, #tpu.memory_space<semaphore_mem>>)
      %dma_wait3A = arith.constant 0 : i32
      %dma_wait3A_57 = arith.constant 0 : i32
      %dma_wait3A_58 = tpu.memref_slice %arg2[%dma_wait3A, %dma_wait3A_57] : memref<20480x128xf32, #tpu.memory_space<hbm>> -> memref<20480x128xf32, #tpu.memory_space<hbm>>
      tpu.wait_indirect_dma semaphore(%arg11 : memref<!tpu.dma_semaphore, #tpu.memory_space<semaphore_mem>>) src(%dma_wait3A_58 : memref<20480x128xf32, #tpu.memory_space<hbm>>) dst(%arg9 : memref<128x128xf32, #tpu.memory_space<vmem>>)
      "tpu.region"() ({
        %run_scoped3A = tpu.sem_alloc : memref<!tpu.dma_semaphore, #tpu.memory_space<semaphore_mem>>
        %dma_start3A_59 = arith.constant 0 : i32
        %dma_start3A_60 = arith.constant 0 : i32
        %dma_start3A_61 = tpu.memref_slice %arg6[%dma_start3A_59, %dma_start3A_60] : memref<10240x128xf32, #tpu.memory_space<vmem_shared>> -> memref<10240x128xf32, #tpu.memory_space<vmem_shared>>
        tpu.enqueue_indirect_dma source(%arg9 : memref<128x128xf32, #tpu.memory_space<vmem>>) target(%dma_start3A_61 : memref<10240x128xf32, #tpu.memory_space<vmem_shared>>) offsets(%arg8 : memref<128xi32, #tpu.memory_space<vmem>>) semaphore(%run_scoped3A : memref<!tpu.dma_semaphore, #tpu.memory_space<semaphore_mem>>) {add = true}
        %dma_wait3A_62 = arith.constant 0 : i32
        %dma_wait3A_63 = arith.constant 0 : i32
        %dma_wait3A_64 = tpu.memref_slice %arg6[%dma_wait3A_62, %dma_wait3A_63] : memref<10240x128xf32, #tpu.memory_space<vmem_shared>> -> memref<10240x128xf32, #tpu.memory_space<vmem_shared>>
        tpu.wait_indirect_dma semaphore(%run_scoped3A : memref<!tpu.dma_semaphore, #tpu.memory_space<semaphore_mem>>) src(%arg9 : memref<128x128xf32, #tpu.memory_space<vmem>>) dst(%dma_wait3A_64 : memref<10240x128xf32, #tpu.memory_space<vmem_shared>>)
        tpu.yield
      }) : () -> ()
    }
    %while3A_35 = arith.constant 1 : i32
    scf.for %while3A_50 = %while3A_33 to %while3A_29 step %while3A_35  : i32 {
      %mul3A_51 = arith.constant 128 : i32
      %mul3A_52 = arith.muli %while3A_50, %mul3A_51 : i32
      %add3A_53 = arith.addi %add3A, %mul3A_52 : i32
      "tpu.region"() ({
        %run_scoped3A = tpu.sem_alloc : memref<!tpu.dma_semaphore, #tpu.memory_space<semaphore_mem>>
        %dma_start3A_59 = tpu.memref_slice %arg3[%add3A_53] : memref<647168xi32, #tpu.memory_space<hbm>> -> memref<128xi32, #tpu.memory_space<hbm>>
        %dma_start3A_60 = tpu.memref_slice %arg3[%add3A_53] : memref<647168xi32, #tpu.memory_space<hbm>> -> memref<128xi32, #tpu.memory_space<hbm>>
        tpu.enqueue_dma source(%dma_start3A_60 : memref<128xi32, #tpu.memory_space<hbm>>) target(%arg7 : memref<128xi32, #tpu.memory_space<vmem>>) target_semaphore(%run_scoped3A : memref<!tpu.dma_semaphore, #tpu.memory_space<semaphore_mem>>)
        %dma_wait3A_61 = tpu.memref_slice %arg3[%add3A_53] : memref<647168xi32, #tpu.memory_space<hbm>> -> memref<128xi32, #tpu.memory_space<hbm>>
        %dma_wait3A_62 = tpu.memref_slice %arg3[%add3A_53] : memref<647168xi32, #tpu.memory_space<hbm>> -> memref<128xi32, #tpu.memory_space<hbm>>
        tpu.wait_dma2 semaphore(%run_scoped3A : memref<!tpu.dma_semaphore, #tpu.memory_space<semaphore_mem>>) src(%dma_wait3A_62 : memref<128xi32, #tpu.memory_space<hbm>>) dst(%arg7 : memref<128xi32, #tpu.memory_space<vmem>>)
        tpu.yield
      }) : () -> ()
      %add3A_54 = arith.addi %mul3A_25, %mul3A_52 : i32
      "tpu.region"() ({
        %run_scoped3A = tpu.sem_alloc : memref<!tpu.dma_semaphore, #tpu.memory_space<semaphore_mem>>
        %dma_start3A_59 = tpu.memref_slice %arg4[%add3A_54] : memref<323584xi32, #tpu.memory_space<hbm>> -> memref<128xi32, #tpu.memory_space<hbm>>
        %dma_start3A_60 = tpu.memref_slice %arg4[%add3A_54] : memref<323584xi32, #tpu.memory_space<hbm>> -> memref<128xi32, #tpu.memory_space<hbm>>
        tpu.enqueue_dma source(%dma_start3A_60 : memref<128xi32, #tpu.memory_space<hbm>>) target(%arg8 : memref<128xi32, #tpu.memory_space<vmem>>) target_semaphore(%run_scoped3A : memref<!tpu.dma_semaphore, #tpu.memory_space<semaphore_mem>>)
        %dma_wait3A_61 = tpu.memref_slice %arg4[%add3A_54] : memref<323584xi32, #tpu.memory_space<hbm>> -> memref<128xi32, #tpu.memory_space<hbm>>
        %dma_wait3A_62 = tpu.memref_slice %arg4[%add3A_54] : memref<323584xi32, #tpu.memory_space<hbm>> -> memref<128xi32, #tpu.memory_space<hbm>>
        tpu.wait_dma2 semaphore(%run_scoped3A : memref<!tpu.dma_semaphore, #tpu.memory_space<semaphore_mem>>) src(%dma_wait3A_62 : memref<128xi32, #tpu.memory_space<hbm>>) dst(%arg8 : memref<128xi32, #tpu.memory_space<vmem>>)
        tpu.yield
      }) : () -> ()
      %dma_start3A = arith.constant 0 : i32
      %dma_start3A_55 = arith.constant 0 : i32
      %dma_start3A_56 = tpu.memref_slice %arg2[%dma_start3A, %dma_start3A_55] : memref<20480x128xf32, #tpu.memory_space<hbm>> -> memref<20480x128xf32, #tpu.memory_space<hbm>>
      tpu.enqueue_indirect_dma source(%dma_start3A_56 : memref<20480x128xf32, #tpu.memory_space<hbm>>) target(%arg9 : memref<128x128xf32, #tpu.memory_space<vmem>>) offsets(%arg7 : memref<128xi32, #tpu.memory_space<vmem>>) semaphore(%arg11 : memref<!tpu.dma_semaphore, #tpu.memory_space<semaphore_mem>>)
      %dma_wait3A = arith.constant 0 : i32
      %dma_wait3A_57 = arith.constant 0 : i32
      %dma_wait3A_58 = tpu.memref_slice %arg2[%dma_wait3A, %dma_wait3A_57] : memref<20480x128xf32, #tpu.memory_space<hbm>> -> memref<20480x128xf32, #tpu.memory_space<hbm>>
      tpu.wait_indirect_dma semaphore(%arg11 : memref<!tpu.dma_semaphore, #tpu.memory_space<semaphore_mem>>) src(%dma_wait3A_58 : memref<20480x128xf32, #tpu.memory_space<hbm>>) dst(%arg9 : memref<128x128xf32, #tpu.memory_space<vmem>>)
      "tpu.region"() ({
        %run_scoped3A = tpu.sem_alloc : memref<!tpu.dma_semaphore, #tpu.memory_space<semaphore_mem>>
        %dma_start3A_59 = arith.constant 0 : i32
        %dma_start3A_60 = arith.constant 0 : i32
        %dma_start3A_61 = tpu.memref_slice %arg6[%dma_start3A_59, %dma_start3A_60] : memref<10240x128xf32, #tpu.memory_space<vmem_shared>> -> memref<10240x128xf32, #tpu.memory_space<vmem_shared>>
        tpu.enqueue_indirect_dma source(%arg9 : memref<128x128xf32, #tpu.memory_space<vmem>>) target(%dma_start3A_61 : memref<10240x128xf32, #tpu.memory_space<vmem_shared>>) offsets(%arg8 : memref<128xi32, #tpu.memory_space<vmem>>) semaphore(%run_scoped3A : memref<!tpu.dma_semaphore, #tpu.memory_space<semaphore_mem>>) {add = true}
        %dma_wait3A_62 = arith.constant 0 : i32
        %dma_wait3A_63 = arith.constant 0 : i32
        %dma_wait3A_64 = tpu.memref_slice %arg6[%dma_wait3A_62, %dma_wait3A_63] : memref<10240x128xf32, #tpu.memory_space<vmem_shared>> -> memref<10240x128xf32, #tpu.memory_space<vmem_shared>>
        tpu.wait_indirect_dma semaphore(%run_scoped3A : memref<!tpu.dma_semaphore, #tpu.memory_space<semaphore_mem>>) src(%arg9 : memref<128x128xf32, #tpu.memory_space<vmem>>) dst(%dma_wait3A_64 : memref<10240x128xf32, #tpu.memory_space<vmem_shared>>)
        tpu.yield
      }) : () -> ()
    }
    %barrier3A_36 = arith.constant 0 : index
    tpu.barrier barrier_id(%barrier3A_36)
    %mul3A_37 = arith.constant 10240 : i32
    %mul3A_38 = arith.muli %arg0, %mul3A_37 : i32
    %add3A_39 = arith.addi %mul3A_38, %mul3A_0 : i32
    %while3A_40 = arith.constant 0 : i32
    %while3A_41 = arith.constant 5 : i32
    %while3A_42 = arith.subi %while3A_41, %while3A_40 : i32
    %while3A_43 = arith.addi %while3A_40, %while3A_42 : i32
    %while3A_44 = arith.constant 1 : i32
    %while3A_45 = arith.divsi %while3A_42, %while3A_44 : i32
    %while3A_46 = arith.muli %while3A_45, %while3A_44 : i32
    %while3A_47 = arith.addi %while3A_40, %while3A_46 : i32
    %while3A_48 = arith.constant 1 : i32
    scf.for %while3A_50 = %while3A_40 to %while3A_47 step %while3A_48  : i32 {
      %mul3A_51 = arith.constant 128 : i32
      %mul3A_52 = arith.muli %while3A_50, %mul3A_51 : i32
      %add3A_53 = arith.addi %mul3A_0, %mul3A_52 : i32
      %add3A_54 = arith.addi %add3A_39, %mul3A_52 : i32
      "tpu.region"() ({
        %run_scoped3A = tpu.sem_alloc : memref<!tpu.dma_semaphore, #tpu.memory_space<semaphore_mem>>
        %dma_start3A = arith.constant 0 : i32
        %dma_start3A_55 = tpu.memref_slice %arg5[%add3A_54, %dma_start3A] : memref<20480x128xf32, #tpu.memory_space<hbm>> -> memref<128x128xf32, #tpu.memory_space<hbm>>
        %dma_start3A_56 = arith.constant 0 : i32
        %dma_start3A_57 = tpu.memref_slice %arg6[%add3A_53, %dma_start3A_56] : memref<10240x128xf32, #tpu.memory_space<vmem_shared>> -> memref<128x128xf32, #tpu.memory_space<vmem_shared>>
        tpu.enqueue_dma source(%dma_start3A_57 : memref<128x128xf32, #tpu.memory_space<vmem_shared>>) target(%dma_start3A_55 : memref<128x128xf32, #tpu.memory_space<hbm>>) target_semaphore(%run_scoped3A : memref<!tpu.dma_semaphore, #tpu.memory_space<semaphore_mem>>)
        %dma_wait3A = arith.constant 0 : i32
        %dma_wait3A_58 = tpu.memref_slice %arg5[%add3A_54, %dma_wait3A] : memref<20480x128xf32, #tpu.memory_space<hbm>> -> memref<128x128xf32, #tpu.memory_space<hbm>>
        %dma_wait3A_59 = arith.constant 0 : i32
        %dma_wait3A_60 = tpu.memref_slice %arg6[%add3A_53, %dma_wait3A_59] : memref<10240x128xf32, #tpu.memory_space<vmem_shared>> -> memref<128x128xf32, #tpu.memory_space<vmem_shared>>
        tpu.wait_dma2 semaphore(%run_scoped3A : memref<!tpu.dma_semaphore, #tpu.memory_space<semaphore_mem>>) src(%dma_wait3A_60 : memref<128x128xf32, #tpu.memory_space<vmem_shared>>) dst(%dma_wait3A_58 : memref<128x128xf32, #tpu.memory_space<hbm>>)
        tpu.yield
      }) : () -> ()
    }
    %while3A_49 = arith.constant 1 : i32
    scf.for %while3A_50 = %while3A_47 to %while3A_43 step %while3A_49  : i32 {
      %mul3A_51 = arith.constant 128 : i32
      %mul3A_52 = arith.muli %while3A_50, %mul3A_51 : i32
      %add3A_53 = arith.addi %mul3A_0, %mul3A_52 : i32
      %add3A_54 = arith.addi %add3A_39, %mul3A_52 : i32
      "tpu.region"() ({
        %run_scoped3A = tpu.sem_alloc : memref<!tpu.dma_semaphore, #tpu.memory_space<semaphore_mem>>
        %dma_start3A = arith.constant 0 : i32
        %dma_start3A_55 = tpu.memref_slice %arg5[%add3A_54, %dma_start3A] : memref<20480x128xf32, #tpu.memory_space<hbm>> -> memref<128x128xf32, #tpu.memory_space<hbm>>
        %dma_start3A_56 = arith.constant 0 : i32
        %dma_start3A_57 = tpu.memref_slice %arg6[%add3A_53, %dma_start3A_56] : memref<10240x128xf32, #tpu.memory_space<vmem_shared>> -> memref<128x128xf32, #tpu.memory_space<vmem_shared>>
        tpu.enqueue_dma source(%dma_start3A_57 : memref<128x128xf32, #tpu.memory_space<vmem_shared>>) target(%dma_start3A_55 : memref<128x128xf32, #tpu.memory_space<hbm>>) target_semaphore(%run_scoped3A : memref<!tpu.dma_semaphore, #tpu.memory_space<semaphore_mem>>)
        %dma_wait3A = arith.constant 0 : i32
        %dma_wait3A_58 = tpu.memref_slice %arg5[%add3A_54, %dma_wait3A] : memref<20480x128xf32, #tpu.memory_space<hbm>> -> memref<128x128xf32, #tpu.memory_space<hbm>>
        %dma_wait3A_59 = arith.constant 0 : i32
        %dma_wait3A_60 = tpu.memref_slice %arg6[%add3A_53, %dma_wait3A_59] : memref<10240x128xf32, #tpu.memory_space<vmem_shared>> -> memref<128x128xf32, #tpu.memory_space<vmem_shared>>
        tpu.wait_dma2 semaphore(%run_scoped3A : memref<!tpu.dma_semaphore, #tpu.memory_space<semaphore_mem>>) src(%dma_wait3A_60 : memref<128x128xf32, #tpu.memory_space<vmem_shared>>) dst(%dma_wait3A_58 : memref<128x128xf32, #tpu.memory_space<hbm>>)
        tpu.yield
      }) : () -> ()
    }
    return
  }
}

#map = affine_map<(d0, d1) -> (0)>
module attributes {stable_mosaic.version = 14 : i64} {
  func.func @hist_kernel(%arg0: i32, %arg1: i32, %arg2: memref<323584xi32, #tpu.memory_space<hbm>>, %arg3: memref<20480xf32, #tpu.memory_space<hbm>>, %arg4: memref<10240xf32, #tpu.memory_space<vmem_shared>>, %arg5: memref<128xi32, #tpu.memory_space<vmem>>, %arg6: memref<128xf32, #tpu.memory_space<vmem>>, %arg7: memref<640xf32, #tpu.memory_space<vmem>>) attributes {dimension_semantics = [#tpu.dimension_semantics<core_parallel>, #tpu.dimension_semantics<subcore_parallel>], iteration_bounds = array<i64: 2, 16>, scalar_prefetch = 0 : i64, scratch_operands = 4 : i64, tpu.core_type = #tpu.core_type<sc_vector_subcore>, window_params = [{transform_indices = #map}, {transform_indices = #map}]} {
    %mul3A = arith.constant 16 : i32
    %mul3A_0 = arith.muli %arg0, %mul3A : i32
    %add3A = arith.addi %mul3A_0, %arg1 : i32
    %while3A = arith.constant 0 : i32
    %while3A_1 = arith.constant 8 : i32
    %while3A_2 = arith.subi %while3A_1, %while3A : i32
    %while3A_3 = arith.addi %while3A, %while3A_2 : i32
    %while3A_4 = arith.constant 1 : i32
    %while3A_5 = arith.divsi %while3A_2, %while3A_4 : i32
    %while3A_6 = arith.muli %while3A_5, %while3A_4 : i32
    %while3A_7 = arith.addi %while3A, %while3A_6 : i32
    %while3A_8 = arith.constant 1 : i32
    scf.for %while3A_38 = %while3A to %while3A_7 step %while3A_8  : i32 {
      %mul3A_39 = arith.constant 16 : i32
      %mul3A_40 = arith.muli %while3A_38, %mul3A_39 : i32
      %broadcast_in_dim3A = arith.constant 1.000000e+00 : f32
      %broadcast_in_dim3A_41 = vector.broadcast %broadcast_in_dim3A : f32 to vector<16xf32>
      %swap3A = arith.index_cast %mul3A_40 : i32 to index
      %swap3A_42 = tpu.vector_load %arg6[%swap3A] {strides = array<i32>} : memref<128xf32, #tpu.memory_space<vmem>>, vector<16xf32>,
      %swap3A_43 = vector.shape_cast %swap3A_42 : vector<16xf32> to vector<16xf32>
      %swap3A_44 = vector.shape_cast %broadcast_in_dim3A_41 : vector<16xf32> to vector<16xf32>
      tpu.vector_store %arg6[%swap3A], %swap3A_44 {strides = array<i32>} : memref<128xf32, #tpu.memory_space<vmem>>, vector<16xf32>,
    }
    %while3A_9 = arith.constant 1 : i32
    scf.for %while3A_38 = %while3A_7 to %while3A_3 step %while3A_9  : i32 {
      %mul3A_39 = arith.constant 16 : i32
      %mul3A_40 = arith.muli %while3A_38, %mul3A_39 : i32
      %broadcast_in_dim3A = arith.constant 1.000000e+00 : f32
      %broadcast_in_dim3A_41 = vector.broadcast %broadcast_in_dim3A : f32 to vector<16xf32>
      %swap3A = arith.index_cast %mul3A_40 : i32 to index
      %swap3A_42 = tpu.vector_load %arg6[%swap3A] {strides = array<i32>} : memref<128xf32, #tpu.memory_space<vmem>>, vector<16xf32>,
      %swap3A_43 = vector.shape_cast %swap3A_42 : vector<16xf32> to vector<16xf32>
      %swap3A_44 = vector.shape_cast %broadcast_in_dim3A_41 : vector<16xf32> to vector<16xf32>
      tpu.vector_store %arg6[%swap3A], %swap3A_44 {strides = array<i32>} : memref<128xf32, #tpu.memory_space<vmem>>, vector<16xf32>,
    }
    %while3A_10 = arith.constant 0 : i32
    %while3A_11 = arith.constant 40 : i32
    %while3A_12 = arith.subi %while3A_11, %while3A_10 : i32
    %while3A_13 = arith.addi %while3A_10, %while3A_12 : i32
    %while3A_14 = arith.constant 1 : i32
    %while3A_15 = arith.divsi %while3A_12, %while3A_14 : i32
    %while3A_16 = arith.muli %while3A_15, %while3A_14 : i32
    %while3A_17 = arith.addi %while3A_10, %while3A_16 : i32
    %while3A_18 = arith.constant 1 : i32
    scf.for %while3A_38 = %while3A_10 to %while3A_17 step %while3A_18  : i32 {
      %mul3A_39 = arith.constant 16 : i32
      %mul3A_40 = arith.muli %while3A_38, %mul3A_39 : i32
      %broadcast_in_dim3A = arith.constant 0.000000e+00 : f32
      %broadcast_in_dim3A_41 = vector.broadcast %broadcast_in_dim3A : f32 to vector<16xf32>
      %swap3A = arith.index_cast %mul3A_40 : i32 to index
      %swap3A_42 = tpu.vector_load %arg7[%swap3A] {strides = array<i32>} : memref<640xf32, #tpu.memory_space<vmem>>, vector<16xf32>,
      %swap3A_43 = vector.shape_cast %swap3A_42 : vector<16xf32> to vector<16xf32>
      %swap3A_44 = vector.shape_cast %broadcast_in_dim3A_41 : vector<16xf32> to vector<16xf32>
      tpu.vector_store %arg7[%swap3A], %swap3A_44 {strides = array<i32>} : memref<640xf32, #tpu.memory_space<vmem>>, vector<16xf32>,
    }
    %while3A_19 = arith.constant 1 : i32
    scf.for %while3A_38 = %while3A_17 to %while3A_13 step %while3A_19  : i32 {
      %mul3A_39 = arith.constant 16 : i32
      %mul3A_40 = arith.muli %while3A_38, %mul3A_39 : i32
      %broadcast_in_dim3A = arith.constant 0.000000e+00 : f32
      %broadcast_in_dim3A_41 = vector.broadcast %broadcast_in_dim3A : f32 to vector<16xf32>
      %swap3A = arith.index_cast %mul3A_40 : i32 to index
      %swap3A_42 = tpu.vector_load %arg7[%swap3A] {strides = array<i32>} : memref<640xf32, #tpu.memory_space<vmem>>, vector<16xf32>,
      %swap3A_43 = vector.shape_cast %swap3A_42 : vector<16xf32> to vector<16xf32>
      %swap3A_44 = vector.shape_cast %broadcast_in_dim3A_41 : vector<16xf32> to vector<16xf32>
      tpu.vector_store %arg7[%swap3A], %swap3A_44 {strides = array<i32>} : memref<640xf32, #tpu.memory_space<vmem>>, vector<16xf32>,
    }
    %mul3A_20 = arith.constant 640 : i32
    %mul3A_21 = arith.muli %arg1, %mul3A_20 : i32
    "tpu.region"() ({
      %run_scoped3A = tpu.sem_alloc : memref<!tpu.dma_semaphore, #tpu.memory_space<semaphore_mem>>
      %dma_start3A = tpu.memref_slice %arg4[%mul3A_21] : memref<10240xf32, #tpu.memory_space<vmem_shared>> -> memref<640xf32, #tpu.memory_space<vmem_shared>>
      %dma_start3A_38 = tpu.memref_slice %arg4[%mul3A_21] : memref<10240xf32, #tpu.memory_space<vmem_shared>> -> memref<640xf32, #tpu.memory_space<vmem_shared>>
      tpu.enqueue_dma source(%arg7 : memref<640xf32, #tpu.memory_space<vmem>>) target(%dma_start3A_38 : memref<640xf32, #tpu.memory_space<vmem_shared>>) target_semaphore(%run_scoped3A : memref<!tpu.dma_semaphore, #tpu.memory_space<semaphore_mem>>)
      %dma_wait3A = tpu.memref_slice %arg4[%mul3A_21] : memref<10240xf32, #tpu.memory_space<vmem_shared>> -> memref<640xf32, #tpu.memory_space<vmem_shared>>
      %dma_wait3A_39 = tpu.memref_slice %arg4[%mul3A_21] : memref<10240xf32, #tpu.memory_space<vmem_shared>> -> memref<640xf32, #tpu.memory_space<vmem_shared>>
      tpu.wait_dma2 semaphore(%run_scoped3A : memref<!tpu.dma_semaphore, #tpu.memory_space<semaphore_mem>>) src(%arg7 : memref<640xf32, #tpu.memory_space<vmem>>) dst(%dma_wait3A_39 : memref<640xf32, #tpu.memory_space<vmem_shared>>)
      tpu.yield
    }) : () -> ()
    %barrier3A = arith.constant 0 : index
    tpu.barrier barrier_id(%barrier3A)
    %mul3A_22 = arith.constant 10112 : i32
    %mul3A_23 = arith.muli %add3A, %mul3A_22 : i32
    %while3A_24 = arith.constant 0 : i32
    %while3A_25 = arith.constant 79 : i32
    %while3A_26 = arith.subi %while3A_25, %while3A_24 : i32
    %while3A_27 = arith.addi %while3A_24, %while3A_26 : i32
    %while3A_28 = arith.constant 1 : i32
    %while3A_29 = arith.divsi %while3A_26, %while3A_28 : i32
    %while3A_30 = arith.muli %while3A_29, %while3A_28 : i32
    %while3A_31 = arith.addi %while3A_24, %while3A_30 : i32
    %while3A_32 = arith.constant 1 : i32
    scf.for %while3A_38 = %while3A_24 to %while3A_31 step %while3A_32  : i32 {
      %mul3A_39 = arith.constant 128 : i32
      %mul3A_40 = arith.muli %while3A_38, %mul3A_39 : i32
      %add3A_41 = arith.addi %mul3A_23, %mul3A_40 : i32
      "tpu.region"() ({
        %run_scoped3A = tpu.sem_alloc : memref<!tpu.dma_semaphore, #tpu.memory_space<semaphore_mem>>
        %dma_start3A = tpu.memref_slice %arg2[%add3A_41] : memref<323584xi32, #tpu.memory_space<hbm>> -> memref<128xi32, #tpu.memory_space<hbm>>
        %dma_start3A_42 = tpu.memref_slice %arg2[%add3A_41] : memref<323584xi32, #tpu.memory_space<hbm>> -> memref<128xi32, #tpu.memory_space<hbm>>
        tpu.enqueue_dma source(%dma_start3A_42 : memref<128xi32, #tpu.memory_space<hbm>>) target(%arg5 : memref<128xi32, #tpu.memory_space<vmem>>) target_semaphore(%run_scoped3A : memref<!tpu.dma_semaphore, #tpu.memory_space<semaphore_mem>>)
        %dma_wait3A = tpu.memref_slice %arg2[%add3A_41] : memref<323584xi32, #tpu.memory_space<hbm>> -> memref<128xi32, #tpu.memory_space<hbm>>
        %dma_wait3A_43 = tpu.memref_slice %arg2[%add3A_41] : memref<323584xi32, #tpu.memory_space<hbm>> -> memref<128xi32, #tpu.memory_space<hbm>>
        tpu.wait_dma2 semaphore(%run_scoped3A : memref<!tpu.dma_semaphore, #tpu.memory_space<semaphore_mem>>) src(%dma_wait3A_43 : memref<128xi32, #tpu.memory_space<hbm>>) dst(%arg5 : memref<128xi32, #tpu.memory_space<vmem>>)
        tpu.yield
      }) : () -> ()
      "tpu.region"() ({
        %run_scoped3A = tpu.sem_alloc : memref<!tpu.dma_semaphore, #tpu.memory_space<semaphore_mem>>
        %dma_start3A = arith.constant 0 : i32
        %dma_start3A_42 = tpu.memref_slice %arg4[%dma_start3A] : memref<10240xf32, #tpu.memory_space<vmem_shared>> -> memref<10240xf32, #tpu.memory_space<vmem_shared>>
        tpu.enqueue_indirect_dma source(%arg6 : memref<128xf32, #tpu.memory_space<vmem>>) target(%dma_start3A_42 : memref<10240xf32, #tpu.memory_space<vmem_shared>>) offsets(%arg5 : memref<128xi32, #tpu.memory_space<vmem>>) semaphore(%run_scoped3A : memref<!tpu.dma_semaphore, #tpu.memory_space<semaphore_mem>>) {add = true}
        %dma_wait3A = arith.constant 0 : i32
        %dma_wait3A_43 = tpu.memref_slice %arg4[%dma_wait3A] : memref<10240xf32, #tpu.memory_space<vmem_shared>> -> memref<10240xf32, #tpu.memory_space<vmem_shared>>
        tpu.wait_indirect_dma semaphore(%run_scoped3A : memref<!tpu.dma_semaphore, #tpu.memory_space<semaphore_mem>>) src(%arg6 : memref<128xf32, #tpu.memory_space<vmem>>) dst(%dma_wait3A_43 : memref<10240xf32, #tpu.memory_space<vmem_shared>>)
        tpu.yield
      }) : () -> ()
    }
    %while3A_33 = arith.constant 1 : i32
    scf.for %while3A_38 = %while3A_31 to %while3A_27 step %while3A_33  : i32 {
      %mul3A_39 = arith.constant 128 : i32
      %mul3A_40 = arith.muli %while3A_38, %mul3A_39 : i32
      %add3A_41 = arith.addi %mul3A_23, %mul3A_40 : i32
      "tpu.region"() ({
        %run_scoped3A = tpu.sem_alloc : memref<!tpu.dma_semaphore, #tpu.memory_space<semaphore_mem>>
        %dma_start3A = tpu.memref_slice %arg2[%add3A_41] : memref<323584xi32, #tpu.memory_space<hbm>> -> memref<128xi32, #tpu.memory_space<hbm>>
        %dma_start3A_42 = tpu.memref_slice %arg2[%add3A_41] : memref<323584xi32, #tpu.memory_space<hbm>> -> memref<128xi32, #tpu.memory_space<hbm>>
        tpu.enqueue_dma source(%dma_start3A_42 : memref<128xi32, #tpu.memory_space<hbm>>) target(%arg5 : memref<128xi32, #tpu.memory_space<vmem>>) target_semaphore(%run_scoped3A : memref<!tpu.dma_semaphore, #tpu.memory_space<semaphore_mem>>)
        %dma_wait3A = tpu.memref_slice %arg2[%add3A_41] : memref<323584xi32, #tpu.memory_space<hbm>> -> memref<128xi32, #tpu.memory_space<hbm>>
        %dma_wait3A_43 = tpu.memref_slice %arg2[%add3A_41] : memref<323584xi32, #tpu.memory_space<hbm>> -> memref<128xi32, #tpu.memory_space<hbm>>
        tpu.wait_dma2 semaphore(%run_scoped3A : memref<!tpu.dma_semaphore, #tpu.memory_space<semaphore_mem>>) src(%dma_wait3A_43 : memref<128xi32, #tpu.memory_space<hbm>>) dst(%arg5 : memref<128xi32, #tpu.memory_space<vmem>>)
        tpu.yield
      }) : () -> ()
      "tpu.region"() ({
        %run_scoped3A = tpu.sem_alloc : memref<!tpu.dma_semaphore, #tpu.memory_space<semaphore_mem>>
        %dma_start3A = arith.constant 0 : i32
        %dma_start3A_42 = tpu.memref_slice %arg4[%dma_start3A] : memref<10240xf32, #tpu.memory_space<vmem_shared>> -> memref<10240xf32, #tpu.memory_space<vmem_shared>>
        tpu.enqueue_indirect_dma source(%arg6 : memref<128xf32, #tpu.memory_space<vmem>>) target(%dma_start3A_42 : memref<10240xf32, #tpu.memory_space<vmem_shared>>) offsets(%arg5 : memref<128xi32, #tpu.memory_space<vmem>>) semaphore(%run_scoped3A : memref<!tpu.dma_semaphore, #tpu.memory_space<semaphore_mem>>) {add = true}
        %dma_wait3A = arith.constant 0 : i32
        %dma_wait3A_43 = tpu.memref_slice %arg4[%dma_wait3A] : memref<10240xf32, #tpu.memory_space<vmem_shared>> -> memref<10240xf32, #tpu.memory_space<vmem_shared>>
        tpu.wait_indirect_dma semaphore(%run_scoped3A : memref<!tpu.dma_semaphore, #tpu.memory_space<semaphore_mem>>) src(%arg6 : memref<128xf32, #tpu.memory_space<vmem>>) dst(%dma_wait3A_43 : memref<10240xf32, #tpu.memory_space<vmem_shared>>)
        tpu.yield
      }) : () -> ()
    }
    %barrier3A_34 = arith.constant 0 : index
    tpu.barrier barrier_id(%barrier3A_34)
    %mul3A_35 = arith.constant 10240 : i32
    %mul3A_36 = arith.muli %arg0, %mul3A_35 : i32
    %add3A_37 = arith.addi %mul3A_36, %mul3A_21 : i32
    "tpu.region"() ({
      %run_scoped3A = tpu.sem_alloc : memref<!tpu.dma_semaphore, #tpu.memory_space<semaphore_mem>>
      %dma_start3A = tpu.memref_slice %arg3[%add3A_37] : memref<20480xf32, #tpu.memory_space<hbm>> -> memref<640xf32, #tpu.memory_space<hbm>>
      %dma_start3A_38 = tpu.memref_slice %arg4[%mul3A_21] : memref<10240xf32, #tpu.memory_space<vmem_shared>> -> memref<640xf32, #tpu.memory_space<vmem_shared>>
      tpu.enqueue_dma source(%dma_start3A_38 : memref<640xf32, #tpu.memory_space<vmem_shared>>) target(%dma_start3A : memref<640xf32, #tpu.memory_space<hbm>>) target_semaphore(%run_scoped3A : memref<!tpu.dma_semaphore, #tpu.memory_space<semaphore_mem>>)
      %dma_wait3A = tpu.memref_slice %arg3[%add3A_37] : memref<20480xf32, #tpu.memory_space<hbm>> -> memref<640xf32, #tpu.memory_space<hbm>>
      %dma_wait3A_39 = tpu.memref_slice %arg4[%mul3A_21] : memref<10240xf32, #tpu.memory_space<vmem_shared>> -> memref<640xf32, #tpu.memory_space<vmem_shared>>
      tpu.wait_dma2 semaphore(%run_scoped3A : memref<!tpu.dma_semaphore, #tpu.memory_space<semaphore_mem>>) src(%dma_wait3A_39 : memref<640xf32, #tpu.memory_space<vmem_shared>>) dst(%dma_wait3A : memref<640xf32, #tpu.memory_space<hbm>>)
      tpu.yield
    }) : () -> ()
    return
  }
}

module attributes {stable_mosaic.version = 14 : i64} {
  func.func @_prep_body(%arg0: i32, %arg1: memref<80x128xf32, #tpu.memory_space<vmem>>, %arg2: memref<80x128xf32, #tpu.memory_space<vmem>>, %arg3: memref<80x1xf32, #tpu.memory_space<vmem>>, %arg4: memref<80x1xf32, #tpu.memory_space<vmem>>, %arg5: memref<128x128xf32, #tpu.memory_space<vmem>>, %arg6: memref<128x128xf32, #tpu.memory_space<vmem>>, %arg7: memref<2x80x128xf32, #tpu.memory_space<vmem>>, %arg8: memref<80x1xf32, #tpu.memory_space<vmem>>) attributes {dimension_semantics = [#tpu.dimension_semantics<arbitrary>], iteration_bounds = array<i64: 128>, scalar_prefetch = 0 : i64, scratch_operands = 0 : i64, tpu.core_type = #tpu.core_type<tc>, window_params = [{transform_indices = @transform_0, window_bounds = array<i64: 80, 128>}, {transform_indices = @transform_1, window_bounds = array<i64: 80, 128>}, {transform_indices = @transform_2, window_bounds = array<i64: 80, 1>}, {transform_indices = @transform_3, window_bounds = array<i64: 80, 1>}, {pipeline_mode = #tpu.pipeline_mode<synchronous>, transform_indices = @transform_4, window_bounds = array<i64: 128, 128>}, {pipeline_mode = #tpu.pipeline_mode<synchronous>, transform_indices = @transform_5, window_bounds = array<i64: 128, 128>}, {transform_indices = @transform_6, window_bounds = array<i64: 2, 80, 128>}, {transform_indices = @transform_7, window_bounds = array<i64: 80, 1>}]} {
    %get3A = arith.constant 0 : index
    %get3A_0 = arith.constant 0 : index
    %get3A_1 = vector.load %arg3[%get3A, %get3A_0] : memref<80x1xf32, #tpu.memory_space<vmem>>, vector<80x1xf32>
    %get3A_2 = arith.constant 0 : index
    %get3A_3 = arith.constant 0 : index
    %get3A_4 = vector.load %arg4[%get3A_2, %get3A_3] : memref<80x1xf32, #tpu.memory_space<vmem>>, vector<80x1xf32>
    %add3A = arith.addf %get3A_1, %get3A_4 : vector<80x1xf32>
    %add3A_5 = arith.constant 1.000000e+00 : f32
    %add3A_6 = vector.broadcast %add3A_5 : f32 to vector<80x1xf32>
    %add3A_7 = arith.addf %add3A, %add3A_6 : vector<80x1xf32>
    %rsqrt3A = math.rsqrt %add3A_7 : vector<80x1xf32>
    %swap3A = arith.constant 0 : index
    %swap3A_8 = arith.constant 0 : index
    %swap3A_9 = vector.load %arg8[%swap3A, %swap3A_8] : memref<80x1xf32, #tpu.memory_space<vmem>>, vector<80x1xf32>
    tpu.vector_store %arg8[%swap3A, %swap3A_8], %rsqrt3A {strides = array<i32>} : memref<80x1xf32, #tpu.memory_space<vmem>>, vector<80x1xf32>,
    %get3A_10 = arith.constant 0 : index
    %get3A_11 = arith.constant 0 : index
    %get3A_12 = vector.load %arg1[%get3A_10, %get3A_11] : memref<80x128xf32, #tpu.memory_space<vmem>>, vector<80x128xf32>
    %get3A_13 = arith.constant 0 : index
    %get3A_14 = arith.constant 0 : index
    %get3A_15 = vector.load %arg5[%get3A_13, %get3A_14] : memref<128x128xf32, #tpu.memory_space<vmem>>, vector<128x128xf32>
    %dot_general3A = arith.constant dense<0.000000e+00> : vector<80x128xf32>
    %dot_general3A_16 = tpu.matmul %get3A_12, %get3A_15, %dot_general3A {dimension_numbers = #tpu.dot_dimension_numbers<[1], [1], [0], [0], [0, 0, 1, 0], [], []>, precision = #tpu.contract_precision<fp32>, transpose_lhs_hint = false} : vector<80x128xf32>, vector<128x128xf32>, vector<80x128xf32> -> vector<80x128xf32>
    %mul3A = vector.broadcast %rsqrt3A : vector<80x1xf32> to vector<80x128xf32>
    %mul3A_17 = arith.mulf %dot_general3A_16, %mul3A : vector<80x128xf32>
    %swap3A_18 = arith.constant 0 : index
    %swap3A_19 = arith.constant 0 : index
    %swap3A_20 = arith.constant 0 : index
    %swap3A_21 = vector.load %arg7[%swap3A_18, %swap3A_19, %swap3A_20] : memref<2x80x128xf32, #tpu.memory_space<vmem>>, vector<1x80x128xf32>
    %swap3A_22 = vector.shape_cast %swap3A_21 : vector<1x80x128xf32> to vector<80x128xf32>
    %swap3A_23 = vector.shape_cast %mul3A_17 : vector<80x128xf32> to vector<1x80x128xf32>
    tpu.vector_store %arg7[%swap3A_18, %swap3A_19, %swap3A_20], %swap3A_23 {strides = array<i32>} : memref<2x80x128xf32, #tpu.memory_space<vmem>>, vector<1x80x128xf32>,
    %get3A_24 = arith.constant 0 : index
    %get3A_25 = arith.constant 0 : index
    %get3A_26 = vector.load %arg2[%get3A_24, %get3A_25] : memref<80x128xf32, #tpu.memory_space<vmem>>, vector<80x128xf32>
    %add3A_27 = arith.addf %get3A_12, %get3A_26 : vector<80x128xf32>
    %get3A_28 = arith.constant 0 : index
    %get3A_29 = arith.constant 0 : index
    %get3A_30 = vector.load %arg6[%get3A_28, %get3A_29] : memref<128x128xf32, #tpu.memory_space<vmem>>, vector<128x128xf32>
    %dot_general3A_31 = arith.constant dense<0.000000e+00> : vector<80x128xf32>
    %dot_general3A_32 = tpu.matmul %add3A_27, %get3A_30, %dot_general3A_31 {dimension_numbers = #tpu.dot_dimension_numbers<[1], [1], [0], [0], [0, 0, 1, 0], [], []>, precision = #tpu.contract_precision<fp32>, transpose_lhs_hint = false} : vector<80x128xf32>, vector<128x128xf32>, vector<80x128xf32> -> vector<80x128xf32>
    %mul3A_33 = vector.broadcast %rsqrt3A : vector<80x1xf32> to vector<80x128xf32>
    %mul3A_34 = arith.mulf %dot_general3A_32, %mul3A_33 : vector<80x128xf32>
    %swap3A_35 = arith.constant 1 : index
    %swap3A_36 = arith.constant 0 : index
    %swap3A_37 = arith.constant 0 : index
    %swap3A_38 = vector.load %arg7[%swap3A_35, %swap3A_36, %swap3A_37] : memref<2x80x128xf32, #tpu.memory_space<vmem>>, vector<1x80x128xf32>
    %swap3A_39 = vector.shape_cast %swap3A_38 : vector<1x80x128xf32> to vector<80x128xf32>
    %swap3A_40 = vector.shape_cast %mul3A_34 : vector<80x128xf32> to vector<1x80x128xf32>
    tpu.vector_store %arg7[%swap3A_35, %swap3A_36, %swap3A_37], %swap3A_40 {strides = array<i32>} : memref<2x80x128xf32, #tpu.memory_space<vmem>>, vector<1x80x128xf32>,
    return
  }
  func.func @transform_0(%arg0: i32) -> (i32, i32) {
    %c0_i32 = arith.constant 0 : i32
    %c0_i32_0 = arith.constant 0 : i32
    return %arg0, %c0_i32 : i32, i32
  }
  func.func @transform_1(%arg0: i32) -> (i32, i32) {
    %c0_i32 = arith.constant 0 : i32
    %c0_i32_0 = arith.constant 0 : i32
    return %arg0, %c0_i32 : i32, i32
  }
  func.func @transform_2(%arg0: i32) -> (i32, i32) {
    %c0_i32 = arith.constant 0 : i32
    %c0_i32_0 = arith.constant 0 : i32
    return %arg0, %c0_i32 : i32, i32
  }
  func.func @transform_3(%arg0: i32) -> (i32, i32) {
    %c0_i32 = arith.constant 0 : i32
    %c0_i32_0 = arith.constant 0 : i32
    return %arg0, %c0_i32 : i32, i32
  }
  func.func @transform_4(%arg0: i32) -> (i32, i32) {
    %c0_i32 = arith.constant 0 : i32
    %c0_i32_0 = arith.constant 0 : i32
    %c0_i32_1 = arith.constant 0 : i32
    return %c0_i32, %c0_i32_0 : i32, i32
  }
  func.func @transform_5(%arg0: i32) -> (i32, i32) {
    %c0_i32 = arith.constant 0 : i32
    %c0_i32_0 = arith.constant 0 : i32
    %c0_i32_1 = arith.constant 0 : i32
    return %c0_i32, %c0_i32_0 : i32, i32
  }
  func.func @transform_6(%arg0: i32) -> (i32, i32, i32) {
    %c0_i32 = arith.constant 0 : i32
    %c0_i32_0 = arith.constant 0 : i32
    %c0_i32_1 = arith.constant 0 : i32
    return %c0_i32, %arg0, %c0_i32_0 : i32, i32, i32
  }
  func.func @transform_7(%arg0: i32) -> (i32, i32) {
    %c0_i32 = arith.constant 0 : i32
    %c0_i32_0 = arith.constant 0 : i32
    return %arg0, %c0_i32 : i32, i32
  }
}

module attributes {stable_mosaic.version = 14 : i64} {
  func.func @body(%arg0: i32, %arg1: memref<80x128xf32, #tpu.memory_space<vmem>>, %arg2: memref<80x128xf32, #tpu.memory_space<vmem>>, %arg3: memref<80x128xf32, #tpu.memory_space<vmem>>, %arg4: memref<80x128xf32, #tpu.memory_space<vmem>>, %arg5: memref<80x1xf32, #tpu.memory_space<vmem>>, %arg6: memref<80x128xf32, #tpu.memory_space<vmem>>, %arg7: memref<80x128xf32, #tpu.memory_space<vmem>>, %arg8: memref<1x128xf32, #tpu.memory_space<vmem>>, %arg9: memref<1x128xf32, #tpu.memory_space<vmem>>, %arg10: memref<80x128xf32, #tpu.memory_space<vmem>>, %arg11: memref<80x128xf32, #tpu.memory_space<vmem>>, %arg12: memref<1x128xf32, #tpu.memory_space<vmem>>, %arg13: memref<1x1xf32, #tpu.memory_space<vmem>>, %arg14: memref<8x128xf32, #tpu.memory_space<vmem>>, %arg15: memref<1xf32, #tpu.memory_space<smem>>) attributes {dimension_semantics = [#tpu.dimension_semantics<arbitrary>], iteration_bounds = array<i64: 125>, scalar_prefetch = 0 : i64, scratch_operands = 2 : i64, tpu.core_type = #tpu.core_type<tc>, window_params = [{transform_indices = @transform_0, window_bounds = array<i64: 80, 128>}, {transform_indices = @transform_1, window_bounds = array<i64: 80, 128>}, {transform_indices = @transform_2, window_bounds = array<i64: 80, 128>}, {transform_indices = @transform_3, window_bounds = array<i64: 80, 128>}, {transform_indices = @transform_4, window_bounds = array<i64: 80, 1>}, {transform_indices = @transform_5, window_bounds = array<i64: 80, 128>}, {transform_indices = @transform_6, window_bounds = array<i64: 80, 128>}, {pipeline_mode = #tpu.pipeline_mode<synchronous>, transform_indices = @transform_7, window_bounds = array<i64: 1, 128>}, {pipeline_mode = #tpu.pipeline_mode<synchronous>, transform_indices = @transform_8, window_bounds = array<i64: 1, 128>}, {transform_indices = @transform_9, window_bounds = array<i64: 80, 128>}, {transform_indices = @transform_10, window_bounds = array<i64: 80, 128>}, {pipeline_mode = #tpu.pipeline_mode<synchronous>, transform_indices = @transform_11, window_bounds = array<i64: 1, 128>}, {pipeline_mode = #tpu.pipeline_mode<synchronous>, transform_indices = @transform_12, window_bounds = array<i64: 1, 1>}]} {
    %get3A = arith.constant 0 : index
    %get3A_0 = arith.constant 0 : index
    %get3A_1 = vector.load %arg5[%get3A, %get3A_0] : memref<80x1xf32, #tpu.memory_space<vmem>>, vector<80x1xf32>
    %get3A_2 = arith.constant 0 : index
    %get3A_3 = arith.constant 0 : index
    %get3A_4 = vector.load %arg6[%get3A_2, %get3A_3] : memref<80x128xf32, #tpu.memory_space<vmem>>, vector<80x128xf32>
    %get3A_5 = arith.constant 0 : index
    %get3A_6 = arith.constant 0 : index
    %get3A_7 = vector.load %arg1[%get3A_5, %get3A_6] : memref<80x128xf32, #tpu.memory_space<vmem>>, vector<80x128xf32>
    %get3A_8 = arith.constant 0 : index
    %get3A_9 = arith.constant 0 : index
    %get3A_10 = vector.load %arg2[%get3A_8, %get3A_9] : memref<80x128xf32, #tpu.memory_space<vmem>>, vector<80x128xf32>
    %add3A = arith.addf %get3A_7, %get3A_10 : vector<80x128xf32>
    %mul3A = vector.broadcast %get3A_1 : vector<80x1xf32> to vector<80x128xf32>
    %mul3A_11 = arith.mulf %mul3A, %add3A : vector<80x128xf32>
    %get3A_12 = arith.constant 0 : index
    %get3A_13 = arith.constant 0 : index
    %get3A_14 = vector.load %arg8[%get3A_12, %get3A_13] : memref<1x128xf32, #tpu.memory_space<vmem>>, vector<1x128xf32>
    %add3A_15 = vector.broadcast %get3A_14 : vector<1x128xf32> to vector<80x128xf32>
    %add3A_16 = arith.addf %mul3A_11, %add3A_15 : vector<80x128xf32>
    %add3A_17 = arith.addf %add3A_16, %get3A_4 : vector<80x128xf32>
    %get3A_18 = arith.constant 0 : index
    %get3A_19 = arith.constant 0 : index
    %get3A_20 = vector.load %arg7[%get3A_18, %get3A_19] : memref<80x128xf32, #tpu.memory_space<vmem>>, vector<80x128xf32>
    %get3A_21 = arith.constant 0 : index
    %get3A_22 = arith.constant 0 : index
    %get3A_23 = vector.load %arg3[%get3A_21, %get3A_22] : memref<80x128xf32, #tpu.memory_space<vmem>>, vector<80x128xf32>
    %get3A_24 = arith.constant 0 : index
    %get3A_25 = arith.constant 0 : index
    %get3A_26 = vector.load %arg4[%get3A_24, %get3A_25] : memref<80x128xf32, #tpu.memory_space<vmem>>, vector<80x128xf32>
    %add3A_27 = arith.addf %get3A_23, %get3A_26 : vector<80x128xf32>
    %mul3A_28 = vector.broadcast %get3A_1 : vector<80x1xf32> to vector<80x128xf32>
    %mul3A_29 = arith.mulf %mul3A_28, %add3A_27 : vector<80x128xf32>
    %add3A_30 = arith.addf %get3A_20, %mul3A_29 : vector<80x128xf32>
    %get3A_31 = arith.constant 0 : index
    %get3A_32 = arith.constant 0 : index
    %get3A_33 = vector.load %arg9[%get3A_31, %get3A_32] : memref<1x128xf32, #tpu.memory_space<vmem>>, vector<1x128xf32>
    %add3A_34 = vector.broadcast %get3A_33 : vector<1x128xf32> to vector<80x128xf32>
    %add3A_35 = arith.addf %add3A_30, %add3A_34 : vector<80x128xf32>
    %add3A_36 = arith.addf %add3A_35, %get3A_4 : vector<80x128xf32>
    %swap3A = arith.constant 0 : index
    %swap3A_37 = arith.constant 0 : index
    %swap3A_38 = vector.load %arg10[%swap3A, %swap3A_37] : memref<80x128xf32, #tpu.memory_space<vmem>>, vector<80x128xf32>
    tpu.vector_store %arg10[%swap3A, %swap3A_37], %add3A_17 {strides = array<i32>} : memref<80x128xf32, #tpu.memory_space<vmem>>, vector<80x128xf32>,
    %swap3A_39 = arith.constant 0 : index
    %swap3A_40 = arith.constant 0 : index
    %swap3A_41 = vector.load %arg11[%swap3A_39, %swap3A_40] : memref<80x128xf32, #tpu.memory_space<vmem>>, vector<80x128xf32>
    tpu.vector_store %arg11[%swap3A_39, %swap3A_40], %add3A_36 {strides = array<i32>} : memref<80x128xf32, #tpu.memory_space<vmem>>, vector<80x128xf32>,
    %reduce_sum3A = arith.constant dense<0.000000e+00> : vector<128xf32>
    %reduce_sum3A_42 = vector.multi_reduction <add>, %add3A_17, %reduce_sum3A [0] : vector<80x128xf32> to vector<128xf32>
    %broadcast_in_dim3A = vector.shape_cast %reduce_sum3A_42 : vector<128xf32> to vector<1x128xf32>
    %reduce_sum3A_43 = vector.shape_cast %add3A_36 : vector<80x128xf32> to vector<1x80x128xf32>
    %reduce_sum3A_44 = arith.constant dense<0.000000e+00> : vector<1xf32>
    %reduce_sum3A_45 = vector.multi_reduction <add>, %reduce_sum3A_43, %reduce_sum3A_44 [1, 2] : vector<1x80x128xf32> to vector<1xf32>
    %reduce_sum3A_46 = vector.shape_cast %reduce_sum3A_45 : vector<1xf32> to vector<1x1x1xf32>
    %reduce_sum3A_47 = vector.extract %reduce_sum3A_46[0, 0, 0] : f32 from vector<1x1x1xf32>
    %eq3A = arith.constant 0 : i32
    %eq3A_48 = arith.cmpi eq, %arg0, %eq3A : i32
    %convert_element_type3A = arith.extui %eq3A_48 : i1 to i32
    %cond3A = arith.constant 0 : i32
    %cond3A_49 = arith.cmpi ne, %convert_element_type3A, %cond3A : i32
    scf.if %cond3A_49 {
      %broadcast_in_dim3A_67 = arith.constant 0.000000e+00 : f32
      %broadcast_in_dim3A_68 = vector.broadcast %broadcast_in_dim3A_67 : f32 to vector<8x128xf32>
      %swap3A_69 = arith.constant 0 : index
      %swap3A_70 = arith.constant 0 : index
      %swap3A_71 = vector.load %arg14[%swap3A_69, %swap3A_70] : memref<8x128xf32, #tpu.memory_space<vmem>>, vector<8x128xf32>
      tpu.vector_store %arg14[%swap3A_69, %swap3A_70], %broadcast_in_dim3A_68 {strides = array<i32>} : memref<8x128xf32, #tpu.memory_space<vmem>>, vector<8x128xf32>,
      %swap3A_72 = arith.constant 0.000000e+00 : f32
      %swap3A_73 = arith.constant 0 : index
      %swap3A_74 = memref.load %arg15[%swap3A_73] : memref<1xf32, #tpu.memory_space<smem>>
      memref.store %swap3A_72, %arg15[%swap3A_73] : memref<1xf32, #tpu.memory_space<smem>>
    } else {
    }
    %get3A_50 = arith.constant 0 : index
    %get3A_51 = arith.constant 0 : index
    %get3A_52 = vector.load %arg14[%get3A_50, %get3A_51] : memref<8x128xf32, #tpu.memory_space<vmem>>, vector<1x128xf32>
    %add3A_53 = arith.addf %get3A_52, %broadcast_in_dim3A : vector<1x128xf32>
    %swap3A_54 = arith.constant 0 : index
    %swap3A_55 = arith.constant 0 : index
    %swap3A_56 = vector.load %arg14[%swap3A_54, %swap3A_55] : memref<8x128xf32, #tpu.memory_space<vmem>>, vector<1x128xf32>
    tpu.vector_store %arg14[%swap3A_54, %swap3A_55], %add3A_53 {strides = array<i32>} : memref<8x128xf32, #tpu.memory_space<vmem>>, vector<1x128xf32>,
    %get3A_57 = arith.constant 0 : index
    %get3A_58 = memref.load %arg15[%get3A_57] : memref<1xf32, #tpu.memory_space<smem>>
    %add3A_59 = arith.addf %get3A_58, %reduce_sum3A_47 : f32
    %swap3A_60 = arith.constant 0 : index
    %swap3A_61 = memref.load %arg15[%swap3A_60] : memref<1xf32, #tpu.memory_space<smem>>
    memref.store %add3A_59, %arg15[%swap3A_60] : memref<1xf32, #tpu.memory_space<smem>>
    %eq3A_62 = arith.constant 124 : i32
    %eq3A_63 = arith.cmpi eq, %arg0, %eq3A_62 : i32
    %convert_element_type3A_64 = arith.extui %eq3A_63 : i1 to i32
    %cond3A_65 = arith.constant 0 : i32
    %cond3A_66 = arith.cmpi ne, %convert_element_type3A_64, %cond3A_65 : i32
    scf.if %cond3A_66 {
      %get3A_67 = arith.constant 0 : index
      %get3A_68 = arith.constant 0 : index
      %get3A_69 = vector.load %arg14[%get3A_67, %get3A_68] : memref<8x128xf32, #tpu.memory_space<vmem>>, vector<1x128xf32>
      %mul3A_70 = arith.constant 9.99999974E-5 : f32
      %mul3A_71 = vector.broadcast %mul3A_70 : f32 to vector<1x128xf32>
      %mul3A_72 = arith.mulf %get3A_69, %mul3A_71 : vector<1x128xf32>
      %swap3A_73 = arith.constant 0 : index
      %swap3A_74 = arith.constant 0 : index
      %swap3A_75 = vector.load %arg12[%swap3A_73, %swap3A_74] : memref<1x128xf32, #tpu.memory_space<vmem>>, vector<1x128xf32>
      tpu.vector_store %arg12[%swap3A_73, %swap3A_74], %mul3A_72 {strides = array<i32>} : memref<1x128xf32, #tpu.memory_space<vmem>>, vector<1x128xf32>,
      %get3A_76 = arith.constant 0 : index
      %get3A_77 = memref.load %arg15[%get3A_76] : memref<1xf32, #tpu.memory_space<smem>>
      %mul3A_78 = arith.constant 7.812500e-07 : f32
      %mul3A_79 = arith.mulf %get3A_77, %mul3A_78 : f32
      %broadcast_in_dim3A_80 = vector.broadcast %mul3A_79 : f32 to vector<1x1xf32>
      %swap3A_81 = arith.constant 0 : index
      %swap3A_82 = arith.constant 0 : index
      %swap3A_83 = vector.load %arg13[%swap3A_81, %swap3A_82] : memref<1x1xf32, #tpu.memory_space<vmem>>, vector<1x1xf32>
      tpu.vector_store %arg13[%swap3A_81, %swap3A_82], %broadcast_in_dim3A_80 {strides = array<i32>} : memref<1x1xf32, #tpu.memory_space<vmem>>, vector<1x1xf32>,
    } else {
    }
    return
  }
  func.func @transform_0(%arg0: i32) -> (i32, i32) {
    %c0_i32 = arith.constant 0 : i32
    %c0_i32_0 = arith.constant 0 : i32
    return %arg0, %c0_i32 : i32, i32
  }
  func.func @transform_1(%arg0: i32) -> (i32, i32) {
    %c0_i32 = arith.constant 0 : i32
    %c0_i32_0 = arith.constant 0 : i32
    return %arg0, %c0_i32 : i32, i32
  }
  func.func @transform_2(%arg0: i32) -> (i32, i32) {
    %add3A = arith.constant 128 : i32
    %add3A_0 = arith.addi %arg0, %add3A : i32
    %c0_i32 = arith.constant 0 : i32
    %c0_i32_1 = arith.constant 0 : i32
    return %add3A_0, %c0_i32 : i32, i32
  }
  func.func @transform_3(%arg0: i32) -> (i32, i32) {
    %add3A = arith.constant 128 : i32
    %add3A_0 = arith.addi %arg0, %add3A : i32
    %c0_i32 = arith.constant 0 : i32
    %c0_i32_1 = arith.constant 0 : i32
    return %add3A_0, %c0_i32 : i32, i32
  }
  func.func @transform_4(%arg0: i32) -> (i32, i32) {
    %c0_i32 = arith.constant 0 : i32
    %c0_i32_0 = arith.constant 0 : i32
    return %arg0, %c0_i32 : i32, i32
  }
  func.func @transform_5(%arg0: i32) -> (i32, i32) {
    %c0_i32 = arith.constant 0 : i32
    %c0_i32_0 = arith.constant 0 : i32
    return %arg0, %c0_i32 : i32, i32
  }
  func.func @transform_6(%arg0: i32) -> (i32, i32) {
    %c0_i32 = arith.constant 0 : i32
    %c0_i32_0 = arith.constant 0 : i32
    return %arg0, %c0_i32 : i32, i32
  }
  func.func @transform_7(%arg0: i32) -> (i32, i32) {
    %c0_i32 = arith.constant 0 : i32
    %c0_i32_0 = arith.constant 0 : i32
    %c0_i32_1 = arith.constant 0 : i32
    return %c0_i32, %c0_i32_0 : i32, i32
  }
  func.func @transform_8(%arg0: i32) -> (i32, i32) {
    %c0_i32 = arith.constant 0 : i32
    %c0_i32_0 = arith.constant 0 : i32
    %c0_i32_1 = arith.constant 0 : i32
    return %c0_i32, %c0_i32_0 : i32, i32
  }
  func.func @transform_9(%arg0: i32) -> (i32, i32) {
    %c0_i32 = arith.constant 0 : i32
    %c0_i32_0 = arith.constant 0 : i32
    return %arg0, %c0_i32 : i32, i32
  }
  func.func @transform_10(%arg0: i32) -> (i32, i32) {
    %c0_i32 = arith.constant 0 : i32
    %c0_i32_0 = arith.constant 0 : i32
    return %arg0, %c0_i32 : i32, i32
  }
  func.func @transform_11(%arg0: i32) -> (i32, i32) {
    %c0_i32 = arith.constant 0 : i32
    %c0_i32_0 = arith.constant 0 : i32
    %c0_i32_1 = arith.constant 0 : i32
    return %c0_i32, %c0_i32_0 : i32, i32
  }
  func.func @transform_12(%arg0: i32) -> (i32, i32) {
    %c0_i32 = arith.constant 0 : i32
    %c0_i32_0 = arith.constant 0 : i32
    %c0_i32_1 = arith.constant 0 : i32
    return %c0_i32, %c0_i32_0 : i32, i32
  }
}

</mosaic_0001>

<sc_bundles>
// kernel: kernel.6.cloned.1.call-start
scs
__scs_entry_jumppad:
0x0: {  	(pc) =	sbr.rel $0x88, $3  }
0x1: {  	(tag) =	ssettag $0x0;
	lr =	simm.s32 $0x1  }
0x2: {  	[smem:$0x3F99] =	sst lr;
	_ =	strace $0xD0000000  }
0x3: {  	_ = 	snop  }
0x4: {  	_ = 	snop  }
0x5: {  	_ = 	snop  }
0x6: {  	_ = 	snop  }
0x7: {  	_ = 	snop  }
__scs_overlays_trampoline_lowered:
0x8: {  	[smem:$0x3FA8] =	sst s0  }
0x9: {  	[smem:$0x3FA9] =	sst s1  }
0xa: {  	[smem:$0x3FAA] =	sst s2  }
0xb: {  	[smem:$0x3FAB] =	sst s3  }
0xc: {  	[smem:$0x3FAC] =	sst s4  }
0xd: {  	[smem:$0x3FAD] =	sst s5  }
0xe: {  	[smem:$0x3FAE] =	sst s6  }
0xf: {  	[smem:$0x3FAF] =	sst s7  }
0x10: {  	[smem:$0x3FB0] =	sst s8  }
0x11: {  	[smem:$0x3FB1] =	sst s9;
	s0 =	simm.s32 @!p0 $0x0  }
0x12: {  	s1 =	sld [smem:$0x3F97];
	s0 =	simm.s32 @p0 $0x1  }
0x13: {  	[smem:$0x3FB2] =	sst s0;
	s0 =	simm.s32 @!p1 $0x0  }
0x14: {  	s2 =	sld [smem:$0x3F96];
	s0 =	simm.s32 @p1 $0x1  }
0x15: {  	[smem:$0x3FB3] =	sst s0;
	s0 =	simm.s32 @!p2 $0x0  }
0x16: {  	s3 =	sld [smem:$0x3FDB];
	s0 =	simm.s32 @p2 $0x1  }
0x17: {  	s4 =	simm.s32 $0x1BF5;
	[smem:$0x3FB5] =	sst s0  }
0x18: {  	s0 =	sld [smem:$0x3F98];
	_ =	swait.ge [sflag:s4], $0x0  }
0x19: {  	s7 =	sld [smem:$0x3F99]  }
0x1a: {  	s8 =	sadd.s32 $0xFFFFE003, lr  }
0x1b: {  	s9 =	sadd.s32 $0xFFFFFEF7, lr;
	s5 =	simm.s32 $0xFFFFFFFF;
	p2 =	slt.u32 s8, $0xFFFFF086  }
0x1c: {  	p1 =	slt.u32 s9, $0xF7A;
	s5 =	simm.s32 @!p2 $0x0  }
0x1d: {  	s5 =	simm.s32 @p1 $0x1;
	p0 =	seq.s32 s7, s2  }
0x1e: {  	s7 =	smul.u32 @!p0 $0xF7A, s2;
	p2 =	seq.s32 @!p0 s5, $0x0  }
0x1f: {  	s9 =	smul.u32 $0xF7A, s1;
	s8 =	simm.s32 @!p0 $0x1BF5;
	p2 =	por !p2, p0  }
0x20: {  	[sflag:s8] =	ssyncset.s32 @!p0 $0xFFFFF086;
	s6 =	sadd.s32 @!p0 s3, s7;
	s7 =	simm.s32 @!p0 $0x108  }
0x21: {  	s3 =	sadd.s32 s3, s9;
	s6 =	sadd.s32 @!p0 $0x88, s6;
	s7 =	simm.s32 @p2 $0x1082  }
0x22: {  	[simem:s7], [sflag:s8] =	dma.local @!p0 [hbm:s6], $0xF7A  }
0x23: {  	s9 =	sor.u32 $0xD0000000, s2;
	s6 =	simm.s32 $0x108;
	_ =	swait.ge @!p0 [sflag:s8], $0x0  }
0x24: {  	s3 =	sadd.s32 $0x88, s3;
	s6 =	simm.s32 @!p1 $0x1082;
	[sflag:s4] =	ssyncset.s32 $0xFFFFF086  }
0x25: {  	[simem:s6], [sflag:s4] =	dma.local [hbm:s3], $0xF7A  }
0x26: {  	[smem:$0x3F99] =	sst s1;
	(tag) =	ssettag s2;
	_ =	strace s9  }
0x27: {  	s1 =	sld [smem:$0x3FA9]  }
0x28: {  	s2 =	sld [smem:$0x3FAA]  }
0x29: {  	s4 =	sld [smem:$0x3FAC]  }
0x2a: {  	p0 =	seq.s32 s5, $0x0;
	s5 =	sld [smem:$0x3FAD]  }
0x2b: {  	s6 =	sld [smem:$0x3FAE]  }
0x2c: {  	s7 =	sld [smem:$0x3FAF]  }
0x2d: {  	s3 =	simm.s32 $0x108;
	s8 =	sld [smem:$0x3FB0]  }
0x2e: {  	s3 =	simm.s32 @!p0 $0x1082;
	s9 =	sld [smem:$0x3FB1]  }
0x2f: {  	lr =	sadd.s32 s0, s3;
	s0 =	sld [smem:$0x3FA8]  }
0x30: {  	s3 =	sld [smem:$0x3FAB]  }
0x31: {  	[smem:$0x3FB4] =	sst s10  }
0x32: {  	s10 =	sld [smem:$0x3FB2];
	_ =	sdelay $0x3  }
0x33: {  	p0 =	seq.s32 s10, $0x1;
	s10 =	sld [smem:$0x3FB4];
	_ =	sdelay $0x3  }
0x34: {  	[smem:$0x3FB4] =	sst s10  }
0x35: {  	s10 =	sld [smem:$0x3FB3];
	_ =	sdelay $0x3  }
0x36: {  	p1 =	seq.s32 s10, $0x1;
	s10 =	sld [smem:$0x3FB4];
	_ =	sdelay $0x3  }
0x37: {  	[smem:$0x3FB4] =	sst s10  }
0x38: {  	s10 =	sld [smem:$0x3FB5]  }
0x39: {  	_ = 	snop;
	(pc) =	sbr.ind lr, $3  }
0x3a: {  	_ = 	snop  }
0x3b: {  	_ = 	snop  }
0x3c: {  	p2 =	seq.s32 s10, $0x1;
	s10 =	sld [smem:$0x3FB4]  }
0x3d: {  	_ =	shalt  }
0x3e: {  	_ =	shalt  }
0x3f: {  	_ =	shalt  }
0x40: {  	_ =	shalt  }
0x41: {  	_ =	shalt  }
0x42: {  	_ =	shalt  }
0x43: {  	_ =	shalt  }
0x44: {  	_ =	shalt  }
0x45: {  	_ =	shalt  }
0x46: {  	_ =	shalt  }
0x47: {  	_ =	shalt  }
0x48: {  	_ =	shalt  }
0x49: {  	_ =	shalt  }
0x4a: {  	_ =	shalt  }
0x4b: {  	_ =	shalt  }
0x4c: {  	_ =	shalt  }
0x4d: {  	_ =	shalt  }
0x4e: {  	_ =	shalt  }
0x4f: {  	_ =	shalt  }
0x50: {  	_ =	shalt  }
0x51: {  	_ =	shalt  }
0x52: {  	_ =	shalt  }
0x53: {  	_ =	shalt  }
0x54: {  	_ =	shalt  }
0x55: {  	_ =	shalt  }
0x56: {  	_ =	shalt  }
0x57: {  	_ =	shalt  }
0x58: {  	_ =	shalt  }
0x59: {  	_ =	shalt  }
0x5a: {  	_ =	shalt  }
0x5b: {  	_ =	shalt  }
0x5c: {  	_ =	shalt  }
0x5d: {  	_ =	shalt  }
0x5e: {  	_ =	shalt  }
0x5f: {  	_ =	shalt  }
0x60: {  	_ =	shalt  }
0x61: {  	_ =	shalt  }
0x62: {  	_ =	shalt  }
0x63: {  	_ =	shalt  }
0x64: {  	_ =	shalt  }
0x65: {  	_ =	shalt  }
0x66: {  	_ =	shalt  }
0x67: {  	_ =	shalt  }
0x68: {  	_ =	shalt  }
0x69: {  	_ =	shalt  }
0x6a: {  	_ =	shalt  }
0x6b: {  	_ =	shalt  }
0x6c: {  	_ =	shalt  }
0x6d: {  	_ =	shalt  }
0x6e: {  	_ =	shalt  }
0x6f: {  	_ =	shalt  }
0x70: {  	_ =	shalt  }
0x71: {  	_ =	shalt  }
0x72: {  	_ =	shalt  }
0x73: {  	_ =	shalt  }
0x74: {  	_ =	shalt  }
0x75: {  	_ =	shalt  }
0x76: {  	_ =	shalt  }
0x77: {  	_ =	shalt  }
0x78: {  	_ =	shalt  }
0x79: {  	_ =	shalt  }
0x7a: {  	_ =	shalt  }
0x7b: {  	_ =	shalt  }
0x7c: {  	_ =	shalt  }
0x7d: {  	_ =	shalt  }
0x7e: {  	_ =	shalt  }
0x7f: {  	_ =	shalt  }
0x80: {  	_ =	shalt  }
0x81: {  	_ =	shalt  }
0x82: {  	_ =	shalt  }
0x83: {  	_ =	shalt  }
0x84: {  	_ =	shalt  }
0x85: {  	_ =	shalt  }
0x86: {  	_ =	shalt  }
0x87: {  	_ =	shalt  }
.Lfunc_end0:
.L_simem_size_0:
called_computation_lowered:
.L_overlay_start_0:
0x88: {  	s2 =	sld [smem:$0x3FD9]  }
0x89: {  	s3 =	sld [smem:$0x3FFE];
	_ =	sdelay $0x1  }
0x8a: {  	s1 =	srdreg.scid  }
0x8b: {  	s0 =	sand.u32 $0x1, s1  }
0x8c: {  	s14 =	sshll.u32 s0, $0xA;
	s2 =	sadd.s32 s3, s2  }
0x8d: {  	s2 =	sadd.s32 s2, s14  }
0x8e: {  	[smem:$0x3FC0] =	sst s2  }
0x8f: {  	_ = 	snop  }
0x90: {  	s2 =	sld [smem:$0x3FD0];
	_ =	sdelay $0x2  }
0x91: {  	s15 =	simm.s32 $0xA;
	s4 =	simm.s32 $0x10  }
0x92: {  	[smem:s4], [sflag:s15] =	dma.local [hbm:s2], $0x1  }
0x93: {  	_ =	swait.eq [sflag:s15], $0x1  }
0x94: {  	[sflag:s15] =	ssyncset.done $0x0  }
0x95: {  	[sflag:s15] =	ssyncadd.s32 $0xFFFFFFFF  }
0x96: {  	s16 =	sld [smem:$0x10];
	(tm) =	ssettm $0x1  }
0x97: {  	s17 =	sld [smem:$0x3FFB];
	_ =	sdelay $0x3  }
0x98: {  	_ =	strace s17  }
0x99: {  	s3 =	sld [smem:$0x3FFC];
	_ =	sdelay $0x3  }
0x9a: {  	_ =	strace s3  }
0x9b: {  	s3 =	sld [smem:$0x3FFD];
	_ =	sdelay $0x3  }
0x9c: {  	_ =	strace s3  }
0x9d: {  	_ =	strace $0x8FFFFFFF  }
0x9e: {  	s18 =	sld [smem:$0x3FDB];
	_ =	sdelay $0x1  }
0x9f: {  	s19 =	simm.s32 $_scs_section_size  }
0xa0: {  	s5 =	simm.s32 $_size__tile_overlayer_lowered;
	s6 =	simm.s32 $_tile_overlayer_lowered  }
0xa1: {  	s22 =	simm.s32 $0x1BFF;
	s21 =	sshll.u32 s6, $0x1;
	s3 =	sadd.s32 s19, s18  }
0xa2: {  	s7 =	simm.s32 $0x0;
	s20 =	sshll.u32 s5, $0x1;
	s5 =	sadd.s32 s21, s3  }
0xa3: {  	[timem:s7], [sflag:s22] =	dma.local [hbm:s5], s20  }
0xa4: {  	_ =	swait.ge [sflag:s22], s20  }
0xa5: {  	s4 =	ssub.s32 $0x0, s20;
	[sflag:s22] =	ssyncset.done $0x0  }
0xa6: {  	[sflag:s22] =	ssyncadd.s32 s4;
	_ =	sdelay $0x1  }
0xa7: {  	s23 =	simm.s32 $0x1B8B  }
0xa8: {  	_ =	swait.ge [sflag:s23], $0x1  }
0xa9: {  	[sflag:s23] =	ssyncset.done $0x0  }
0xaa: {  	s25 =	simm.s32 $0x1B8E;
	s24 =	sld [smem:$0x3FFE];
	[sflag:s23] =	ssyncadd.s32 $0xFFFFFFFF  }
0xab: {  	s26 =	simm.s32 $execute0_lowered;
	[smem:$0x3FD2] =	sst s25  }
0xac: {  	s5 =	sshll.u32 s26, $0x1;
	_ =	strace $0x80000046;
	[dreg:$0x1] =	wrdreg $0xFFFFFFFF  }
0xad: {  	s28 =	simm.s32 $_size_execute0_lowered;
	s3 =	sadd.s32 s3, s5;
	[dreg:$0x0] =	wrdreg $0x0  }
0xae: {  	s5 =	sshll.u32 s28, $0x1;
	[dreg:$0x2] =	wrdreg s3  }
0xaf: {  	[dreg:$0x3] =	wrdreg s5  }
0xb0: {  	[dreg:$0x4] =	wrdreg $0xC0  }
0xb1: {  	_ =	task [dreg:s7], $0x5FFFF  }
0xb2: {  	[dreg:$0x1] =	wrdreg $0xFFFFFFFF  }
0xb3: {  	[dreg:$0x0] =	wrdreg $0x60  }
0xb4: {  	[dreg:$0x2] =	wrdreg s16  }
0xb5: {  	[dreg:$0x3] =	wrdreg s24  }
0xb6: {  	[dreg:$0x4] =	wrdreg $0x0  }
0xb7: {  	[dreg:$0x5] =	wrdreg $0x9  }
0xb8: {  	_ =	task.clear_ibuf [dreg:s7], $0x6FFFF;
	_ =	strace $0x90000046  }
0xb9: {  	s29 =	simm.s32 $0x9;
	_ =	strace $0x80000048  }
0xba: {  	_ =	swait.ge [sflag:s29], $0x1  }
0xbb: {  	[sflag:s29] =	ssyncadd.s32 $0xFFFFFFFF  }
0xbc: {  	_ =	strace $0x90000048  }
0xbd: {  	_ =	sfence  }
0xbe: {  	s30 =	sld [smem:$0x0];
	_ =	sdelay $0x2  }
0xbf: {  	s31 =	sshll.u32 s1, $0xD;
	s1 =	sshrl.u32 s1, $0x2  }
0xc0: {  	s3 =	sand.u32 $0x4000, s31;
	s1 =	sadd.s32 s1, s30  }
0xc1: {  	s0 =	sor.u32 s3, s0;
	s1 =	sshll.u32 s1, $0x11  }
0xc2: {  	s0 =	sor.u32 s1, s0  }
0xc3: {  	s0 =	sadd.s32 $0x8F2B, s0  }
0xc4: {  	[sflag:s0] =	ssyncadd.remote.s32 $0x1  }
0xc5: {  	_ =	sfence.sel $0xFFFF  }
0xc6: {  	[dreg:$0x0] =	wrdreg $0xFFFFFFFF;
	(pc) =	sbr.abs _section_cstart, $3  }
0xc7: {  	[dreg:$0x1] =	wrdreg $0xFFFFFFFF  }
0xc8: {  	_ =	task.clear_ibuf [dreg:s7], $0x2FFFF;
	_ =	strace $0x9FFFFFFF  }
0xc9: {  	(tm) =	ssettm $0x7FFFFFFF  }
tec
execute0_lowered:
.L_overlay_start_1:
0x0: {  	(tag) =	ssettag $0x1  }
0x1: {  	s5 =	rddreg [dreg:$0x0]  }
0x2: {  	s4 =	rddreg [dreg:$0x1]  }
0x3: {  	s1 =	srdreg.scid;
	s0 =	stileid.u32  }
0x4: {  	s2 =	rddreg [dreg:$0x2];
	s3 =	simm.s32 $0x0;
	s11 =	simm.s32 $0x80  }
0x5: {  	s12 =	simm.s32 $0x300;
	s15 =	simm.s32 $0x0;
	s7 =	smul.u32 $0x280, s0  }
0x6: {  	s6 =	sand.u32 $0x1, s1;
	s1 =	rddreg [dreg:$0x3];
	s10 =	smul.u32 $0x4F0, s0  }
0x7: {  	[smem:$0x7FF] =	sst s3;
	s13 =	sshll.u32 s0, $0x6;
	s8 =	smul.u32 $0x2800, s6  }
0x8: {  	_ =	strace $0x80000047;
	s9 =	ssub.s32 $0x2, s6;
	s6 =	smul.u32 $0x4F00, s6  }
0x9: {  	s13 =	sor.u32 $0x1C01, s13;
	s30 =	sshrl.u32 s9, $0x1;
	s8 =	sadd.s32 s7, s8  }
0xa: {  	s9 =	ssub.s32 s9, s30;
	s31 =	sadd.s32 s6, s5;
	s8 =	sshrl.u32 s8, $0x3  }
0xb: {  	s6 =	smax.u32 s9, $0x1;
	s9 =	simm.s32 $0x1;
	s8 =	sadd.s32 s8, s4  }
0xc: {  	s4 =	sadd.s32 s7, s2;
	s7 =	sadd.s32 s10, s31;
	s10 =	simm.s32 $0x280  }
0xd: {  	v0 =	vimm.f32 $1.000000000e+00;
	v1 =	vimm.f32 $0.0e+00;
	s5 =	sadd.s32 $0x2600, s8;
	s8 =	simm.s32 $0x380;
	s14 =	sshrl.u32 s4, $0x3  }
.LBB2_1:
0xe: {  	[tilespmem:$0x300] =	vst v0  }
0xf: {  	[tilespmem:$0x310] =	vst v0  }
0x10: {  	[tilespmem:$0x320] =	vst v0  }
0x11: {  	[tilespmem:$0x330] =	vst v0  }
0x12: {  	[tilespmem:$0x340] =	vst v0  }
0x13: {  	[tilespmem:$0x350] =	vst v0  }
0x14: {  	[tilespmem:$0x360] =	vst v0  }
0x15: {  	[tilespmem:$0x370] =	vst v0  }
0x16: {  	[tilespmem:$0x380] =	vst v1  }
0x17: {  	[tilespmem:$0x390] =	vst v1  }
0x18: {  	[tilespmem:$0x3A0] =	vst v1  }
0x19: {  	[tilespmem:$0x3B0] =	vst v1  }
0x1a: {  	[tilespmem:$0x3C0] =	vst v1  }
0x1b: {  	[tilespmem:$0x3D0] =	vst v1  }
0x1c: {  	[tilespmem:$0x3E0] =	vst v1  }
0x1d: {  	[tilespmem:$0x3F0] =	vst v1  }
0x1e: {  	[tilespmem:$0x400] =	vst v1  }
0x1f: {  	[tilespmem:$0x410] =	vst v1  }
0x20: {  	[tilespmem:$0x420] =	vst v1  }
0x21: {  	[tilespmem:$0x430] =	vst v1  }
0x22: {  	[tilespmem:$0x440] =	vst v1  }
0x23: {  	[tilespmem:$0x450] =	vst v1  }
0x24: {  	[tilespmem:$0x460] =	vst v1  }
0x25: {  	[tilespmem:$0x470] =	vst v1  }
0x26: {  	[tilespmem:$0x480] =	vst v1  }
0x27: {  	[tilespmem:$0x490] =	vst v1  }
0x28: {  	[tilespmem:$0x4A0] =	vst v1  }
0x29: {  	[tilespmem:$0x4B0] =	vst v1  }
0x2a: {  	[tilespmem:$0x4C0] =	vst v1  }
0x2b: {  	[tilespmem:$0x4D0] =	vst v1  }
0x2c: {  	[tilespmem:$0x4E0] =	vst v1  }
0x2d: {  	[tilespmem:$0x4F0] =	vst v1  }
0x2e: {  	[tilespmem:$0x500] =	vst v1  }
0x2f: {  	[tilespmem:$0x510] =	vst v1  }
0x30: {  	[tilespmem:$0x520] =	vst v1  }
0x31: {  	[tilespmem:$0x530] =	vst v1  }
0x32: {  	[tilespmem:$0x540] =	vst v1  }
0x33: {  	[tilespmem:$0x550] =	vst v1  }
0x34: {  	[tilespmem:$0x560] =	vst v1  }
0x35: {  	[tilespmem:$0x570] =	vst v1  }
0x36: {  	[tilespmem:$0x580] =	vst v1  }
0x37: {  	[tilespmem:$0x590] =	vst v1  }
0x38: {  	[tilespmem:$0x5A0] =	vst v1  }
0x39: {  	[tilespmem:$0x5B0] =	vst v1  }
0x3a: {  	[tilespmem:$0x5C0] =	vst v1  }
0x3b: {  	[tilespmem:$0x5D0] =	vst v1  }
0x3c: {  	[tilespmem:$0x5E0] =	vst v1  }
0x3d: {  	[tilespmem:$0x5F0] =	vst v1  }
0x3e: {  	[spmem:s4] =	stream.linear.scatter [tilespmem:s8], [sflag:$0x1], $0x280, $0x38;
	[tilespmem:$0x600] =	vst v63  }
0x3f: {  	_ =	swait.ge [sflag:s9], $0x280  }
0x40: {  	[sflag:s9] =	ssyncset.done $0x0  }
0x41: {  	[sflag:s9] =	ssyncadd.s32 $0xFFFFFD80  }
0x42: {  	s16 =	sadd.s32 $0x0, s7;
	[bflag:$0x0] =	sbarrier.arrive $0xFFFF  }
0x43: {  	[tilespmem:s10], [sflag:$0x1] =	stream.linear.gather [hbm4b:s16+s3], $0x80, $0x38;
	[tilespmem:$0x600] =	vst v63  }
0x44: {  	_ =	swait.ge [sflag:s9], $0x80  }
0x45: {  	[sflag:s9] =	ssyncset.done $0x0  }
0x46: {  	[sflag:s9] =	ssyncadd.s32 $0xFFFFFF80  }
0x47: {  	[spmem:s2] =	stream.indirect.scatter.add.f32 [tilespmem:s12], [sflag:$0x1], $0x1, s10, s11, $0xb8;
	[tilespmem:$0x600] =	vst v63  }
0x48: {  	_ =	swait.ge [sflag:s9], $0x80  }
0x49: {  	s17 =	simm.s32 $0x20;
	s16 =	simm.s32 $0x10;
	[sflag:s9] =	ssyncset.done $0x0  }
.LBB2_2:
0x4a: {  	s18 =	sadd.s32 s16, s7  }
0x4b: {  	[sflag:s9] =	ssyncadd.s32 $0xFFFFFF80;
	s16 =	smov.u32 s17;
	s19 =	sadd.s32 $0x10, s17  }
0x4c: {  	[tilespmem:s10], [sflag:$0x1] =	stream.linear.gather [hbm4b:s18+s3], $0x80, $0x38;
	[tilespmem:$0x600] =	vst v63  }
0x4d: {  	p0 =	sne.s32 s17, $0x4E0;
	_ =	swait.ge [sflag:s9], $0x80  }
.Ltmp0:
0x4e: {  	[sflag:s9] =	ssyncset.done $0x0;
	(pc) =	sbr.rel @p0 .LBB2_2-.Ltmp0, $4  }
0x4f: {  	[sflag:s9] =	ssyncadd.s32 $0xFFFFFF80  }
0x50: {  	[spmem:s2] =	stream.indirect.scatter.add.f32 [tilespmem:s12], [sflag:$0x1], $0x1, s10, s11, $0xb8;
	[tilespmem:$0x600] =	vst v63  }
0x51: {  	_ =	swait.ge [sflag:s9], $0x80  }
0x52: {  	s17 =	smov.u32 s19;
	[sflag:s9] =	ssyncset.done $0x0  }
0x53: {  	s16 =	sadd.s32 s16, s7;
	[sflag:s9] =	ssyncadd.s32 $0xFFFFFF80  }
0x54: {  	[tilespmem:s10], [sflag:$0x1] =	stream.linear.gather [hbm4b:s16+s3], $0x80, $0x38;
	[tilespmem:$0x600] =	vst v63  }
0x55: {  	_ =	swait.ge [sflag:s9], $0x80  }
0x56: {  	[sflag:s9] =	ssyncset.done $0x0  }
0x57: {  	[sflag:s9] =	ssyncadd.s32 $0xFFFFFF80  }
0x58: {  	[spmem:s2] =	stream.indirect.scatter.add.f32 [tilespmem:s12], [sflag:$0x1], $0x1, s10, s11, $0xb8;
	[tilespmem:$0x600] =	vst v63  }
0x59: {  	_ =	swait.ge [sflag:s9], $0x80  }
0x5a: {  	s15 =	sadd.s32 $0x1, s15;
	[sflag:s9] =	ssyncset.done $0x0  }
0x5b: {  	p0 =	sne.s32 s15, s6;
	[sflag:s9] =	ssyncadd.s32 $0xFFFFFF80  }
.Ltmp1:
0x5c: {  	[bflag:$0x0] =	sbarrier.arrive $0xFFFF;
	(pc) =	sbr.rel @p0 .LBB2_1-.Ltmp1, $4  }
0x5d: {  	[hbm:s5], [sflag:s13] =	dma.local [spmem:s14], $0x50  }
0x5e: {  	_ =	swait.ge [sflag:s9], $0x50  }
0x5f: {  	[sflag:s9] =	ssyncset.done $0x0  }
0x60: {  	[sflag:s9] =	ssyncadd.s32 $0xFFFFFFB0  }
0x61: {  	_ =	sfence.sel $0x180000  }
0x62: {  	[bflag:$0x0] =	sbarrier.arrive $0xFFFF  }
0x63: {  	p0 =	sne.s32 s0, $0x0;
	_ =	strace $0x90000047  }
0x64: {  	s0 =	sadd.s32 @!p0 $0x100000, s1;
	[bflag:$0x2] =	sbarrier.arrive $0xFFFF  }
0x65: {  	[sflag:s0] =	ssyncadd.tile.s32 @!p0 $0x1;
	_ =	shalt  }
.Lfunc_end2:
_tile_overlayer_lowered:
.L_overlay_start_2:
0x66: {  	(tag) =	ssettag $0x2  }
0x67: {  	s0 =	rddreg [dreg:$0x0];
	s2 =	stileid.u32  }
0x68: {  	s1 =	rddreg [dreg:$0x1];
	p0 =	sne.s32 s2, $0x0  }
0x69: {  	s3 =	rddreg [dreg:$0x2];
	[bflag:$0x3] =	sbarrier.arrive $0xFFFF;
	s2 =	simm.s32 @!p0 $0x1C01  }
0x6a: {  	[timem:s3], [sflag:s2] =	dma.local @!p0 [hbm:s0], s1  }
0x6b: {  	s0 =	simm.s32 @!p0 $0x1  }
0x6c: {  	_ =	swait.ge @!p0 [sflag:s0], s1  }
0x6d: {  	s1 =	ssub.s32 @!p0 $0x0, s1;
	[sflag:s0] =	ssyncset.done @!p0 $0x0  }
0x6e: {  	[sflag:s0] =	ssyncadd.s32 @!p0 s1  }
0x6f: {  	[bflag:$0x3] =	sbarrier.arrive $0xFFFF  }
0x70: {  	_ =	shalt  }

// kernel: kernel.9.cloned.1.call-start
scs
__scs_entry_jumppad:
0x0: {  	(pc) =	sbr.rel $0x88, $3  }
0x1: {  	(tag) =	ssettag $0x0;
	lr =	simm.s32 $0x1  }
0x2: {  	[smem:$0x3F99] =	sst lr;
	_ =	strace $0xD0000000  }
0x3: {  	_ = 	snop  }
0x4: {  	_ = 	snop  }
0x5: {  	_ = 	snop  }
0x6: {  	_ = 	snop  }
0x7: {  	_ = 	snop  }
__scs_overlays_trampoline_lowered:
0x8: {  	[smem:$0x3FA8] =	sst s0  }
0x9: {  	[smem:$0x3FA9] =	sst s1  }
0xa: {  	[smem:$0x3FAA] =	sst s2  }
0xb: {  	[smem:$0x3FAB] =	sst s3  }
0xc: {  	[smem:$0x3FAC] =	sst s4  }
0xd: {  	[smem:$0x3FAD] =	sst s5  }
0xe: {  	[smem:$0x3FAE] =	sst s6  }
0xf: {  	[smem:$0x3FAF] =	sst s7  }
0x10: {  	[smem:$0x3FB0] =	sst s8  }
0x11: {  	[smem:$0x3FB1] =	sst s9;
	s0 =	simm.s32 @!p0 $0x0  }
0x12: {  	s1 =	sld [smem:$0x3F97];
	s0 =	simm.s32 @p0 $0x1  }
0x13: {  	[smem:$0x3FB2] =	sst s0;
	s0 =	simm.s32 @!p1 $0x0  }
0x14: {  	s2 =	sld [smem:$0x3F96];
	s0 =	simm.s32 @p1 $0x1  }
0x15: {  	[smem:$0x3FB3] =	sst s0;
	s0 =	simm.s32 @!p2 $0x0  }
0x16: {  	s3 =	sld [smem:$0x3FDB];
	s0 =	simm.s32 @p2 $0x1  }
0x17: {  	s4 =	simm.s32 $0x1BF5;
	[smem:$0x3FB5] =	sst s0  }
0x18: {  	s0 =	sld [smem:$0x3F98];
	_ =	swait.ge [sflag:s4], $0x0  }
0x19: {  	s7 =	sld [smem:$0x3F99]  }
0x1a: {  	s8 =	sadd.s32 $0xFFFFE003, lr  }
0x1b: {  	s9 =	sadd.s32 $0xFFFFFEF7, lr;
	s5 =	simm.s32 $0xFFFFFFFF;
	p2 =	slt.u32 s8, $0xFFFFF086  }
0x1c: {  	p1 =	slt.u32 s9, $0xF7A;
	s5 =	simm.s32 @!p2 $0x0  }
0x1d: {  	s5 =	simm.s32 @p1 $0x1;
	p0 =	seq.s32 s7, s2  }
0x1e: {  	s7 =	smul.u32 @!p0 $0xF7A, s2;
	p2 =	seq.s32 @!p0 s5, $0x0  }
0x1f: {  	s9 =	smul.u32 $0xF7A, s1;
	s8 =	simm.s32 @!p0 $0x1BF5;
	p2 =	por !p2, p0  }
0x20: {  	[sflag:s8] =	ssyncset.s32 @!p0 $0xFFFFF086;
	s6 =	sadd.s32 @!p0 s3, s7;
	s7 =	simm.s32 @!p0 $0x108  }
0x21: {  	s3 =	sadd.s32 s3, s9;
	s6 =	sadd.s32 @!p0 $0x88, s6;
	s7 =	simm.s32 @p2 $0x1082  }
0x22: {  	[simem:s7], [sflag:s8] =	dma.local @!p0 [hbm:s6], $0xF7A  }
0x23: {  	s9 =	sor.u32 $0xD0000000, s2;
	s6 =	simm.s32 $0x108;
	_ =	swait.ge @!p0 [sflag:s8], $0x0  }
0x24: {  	s3 =	sadd.s32 $0x88, s3;
	s6 =	simm.s32 @!p1 $0x1082;
	[sflag:s4] =	ssyncset.s32 $0xFFFFF086  }
0x25: {  	[simem:s6], [sflag:s4] =	dma.local [hbm:s3], $0xF7A  }
0x26: {  	[smem:$0x3F99] =	sst s1;
	(tag) =	ssettag s2;
	_ =	strace s9  }
0x27: {  	s1 =	sld [smem:$0x3FA9]  }
0x28: {  	s2 =	sld [smem:$0x3FAA]  }
0x29: {  	s4 =	sld [smem:$0x3FAC]  }
0x2a: {  	p0 =	seq.s32 s5, $0x0;
	s5 =	sld [smem:$0x3FAD]  }
0x2b: {  	s6 =	sld [smem:$0x3FAE]  }
0x2c: {  	s7 =	sld [smem:$0x3FAF]  }
0x2d: {  	s3 =	simm.s32 $0x108;
	s8 =	sld [smem:$0x3FB0]  }
0x2e: {  	s3 =	simm.s32 @!p0 $0x1082;
	s9 =	sld [smem:$0x3FB1]  }
0x2f: {  	lr =	sadd.s32 s0, s3;
	s0 =	sld [smem:$0x3FA8]  }
0x30: {  	s3 =	sld [smem:$0x3FAB]  }
0x31: {  	[smem:$0x3FB4] =	sst s10  }
0x32: {  	s10 =	sld [smem:$0x3FB2];
	_ =	sdelay $0x3  }
0x33: {  	p0 =	seq.s32 s10, $0x1;
	s10 =	sld [smem:$0x3FB4];
	_ =	sdelay $0x3  }
0x34: {  	[smem:$0x3FB4] =	sst s10  }
0x35: {  	s10 =	sld [smem:$0x3FB3];
	_ =	sdelay $0x3  }
0x36: {  	p1 =	seq.s32 s10, $0x1;
	s10 =	sld [smem:$0x3FB4];
	_ =	sdelay $0x3  }
0x37: {  	[smem:$0x3FB4] =	sst s10  }
0x38: {  	s10 =	sld [smem:$0x3FB5]  }
0x39: {  	_ = 	snop;
	(pc) =	sbr.ind lr, $3  }
0x3a: {  	_ = 	snop  }
0x3b: {  	_ = 	snop  }
0x3c: {  	p2 =	seq.s32 s10, $0x1;
	s10 =	sld [smem:$0x3FB4]  }
0x3d: {  	_ =	shalt  }
0x3e: {  	_ =	shalt  }
0x3f: {  	_ =	shalt  }
0x40: {  	_ =	shalt  }
0x41: {  	_ =	shalt  }
0x42: {  	_ =	shalt  }
0x43: {  	_ =	shalt  }
0x44: {  	_ =	shalt  }
0x45: {  	_ =	shalt  }
0x46: {  	_ =	shalt  }
0x47: {  	_ =	shalt  }
0x48: {  	_ =	shalt  }
0x49: {  	_ =	shalt  }
0x4a: {  	_ =	shalt  }
0x4b: {  	_ =	shalt  }
0x4c: {  	_ =	shalt  }
0x4d: {  	_ =	shalt  }
0x4e: {  	_ =	shalt  }
0x4f: {  	_ =	shalt  }
0x50: {  	_ =	shalt  }
0x51: {  	_ =	shalt  }
0x52: {  	_ =	shalt  }
0x53: {  	_ =	shalt  }
0x54: {  	_ =	shalt  }
0x55: {  	_ =	shalt  }
0x56: {  	_ =	shalt  }
0x57: {  	_ =	shalt  }
0x58: {  	_ =	shalt  }
0x59: {  	_ =	shalt  }
0x5a: {  	_ =	shalt  }
0x5b: {  	_ =	shalt  }
0x5c: {  	_ =	shalt  }
0x5d: {  	_ =	shalt  }
0x5e: {  	_ =	shalt  }
0x5f: {  	_ =	shalt  }
0x60: {  	_ =	shalt  }
0x61: {  	_ =	shalt  }
0x62: {  	_ =	shalt  }
0x63: {  	_ =	shalt  }
0x64: {  	_ =	shalt  }
0x65: {  	_ =	shalt  }
0x66: {  	_ =	shalt  }
0x67: {  	_ =	shalt  }
0x68: {  	_ =	shalt  }
0x69: {  	_ =	shalt  }
0x6a: {  	_ =	shalt  }
0x6b: {  	_ =	shalt  }
0x6c: {  	_ =	shalt  }
0x6d: {  	_ =	shalt  }
0x6e: {  	_ =	shalt  }
0x6f: {  	_ =	shalt  }
0x70: {  	_ =	shalt  }
0x71: {  	_ =	shalt  }
0x72: {  	_ =	shalt  }
0x73: {  	_ =	shalt  }
0x74: {  	_ =	shalt  }
0x75: {  	_ =	shalt  }
0x76: {  	_ =	shalt  }
0x77: {  	_ =	shalt  }
0x78: {  	_ =	shalt  }
0x79: {  	_ =	shalt  }
0x7a: {  	_ =	shalt  }
0x7b: {  	_ =	shalt  }
0x7c: {  	_ =	shalt  }
0x7d: {  	_ =	shalt  }
0x7e: {  	_ =	shalt  }
0x7f: {  	_ =	shalt  }
0x80: {  	_ =	shalt  }
0x81: {  	_ =	shalt  }
0x82: {  	_ =	shalt  }
0x83: {  	_ =	shalt  }
0x84: {  	_ =	shalt  }
0x85: {  	_ =	shalt  }
0x86: {  	_ =	shalt  }
0x87: {  	_ =	shalt  }
.Lfunc_end0:
.L_simem_size_0:
called_computation.1_lowered:
.L_overlay_start_0:
0x88: {  	s2 =	sld [smem:$0x3FD9]  }
0x89: {  	s3 =	sld [smem:$0x3FFE];
	_ =	sdelay $0x1  }
0x8a: {  	s1 =	srdreg.scid  }
0x8b: {  	s0 =	sand.u32 $0x1, s1  }
0x8c: {  	s14 =	sshll.u32 s0, $0xA;
	s2 =	sadd.s32 s3, s2  }
0x8d: {  	s2 =	sadd.s32 s2, s14  }
0x8e: {  	[smem:$0x3FC0] =	sst s2  }
0x8f: {  	_ = 	snop  }
0x90: {  	s2 =	sld [smem:$0x3FD0];
	_ =	sdelay $0x2  }
0x91: {  	s15 =	simm.s32 $0xA;
	s4 =	simm.s32 $0x10  }
0x92: {  	[smem:s4], [sflag:s15] =	dma.local [hbm:s2], $0x1  }
0x93: {  	_ =	swait.eq [sflag:s15], $0x1  }
0x94: {  	[sflag:s15] =	ssyncset.done $0x0  }
0x95: {  	s16 =	sld [smem:$0x10];
	[sflag:s15] =	ssyncadd.s32 $0xFFFFFFFF  }
0x96: {  	s17 =	sld [smem:$0x11];
	(tm) =	ssettm $0x1  }
0x97: {  	s18 =	sld [smem:$0x3FFB];
	_ =	sdelay $0x3  }
0x98: {  	_ =	strace s18  }
0x99: {  	s4 =	sld [smem:$0x3FFC];
	_ =	sdelay $0x3  }
0x9a: {  	_ =	strace s4  }
0x9b: {  	s4 =	sld [smem:$0x3FFD];
	_ =	sdelay $0x3  }
0x9c: {  	_ =	strace s4  }
0x9d: {  	_ =	strace $0x8FFFFFFF  }
0x9e: {  	s19 =	sld [smem:$0x3FDB];
	_ =	sdelay $0x1  }
0x9f: {  	s5 =	simm.s32 $_scs_section_size  }
0xa0: {  	s6 =	simm.s32 $_size__tile_overlayer_lowered;
	s7 =	simm.s32 $_tile_overlayer_lowered  }
0xa1: {  	s22 =	simm.s32 $0x1BFF;
	s21 =	sshll.u32 s7, $0x1;
	s4 =	sadd.s32 s5, s19  }
0xa2: {  	s8 =	simm.s32 $0x0;
	s20 =	sshll.u32 s6, $0x1;
	s6 =	sadd.s32 s21, s4  }
0xa3: {  	[timem:s8], [sflag:s22] =	dma.local [hbm:s6], s20  }
0xa4: {  	_ =	swait.ge [sflag:s22], s20  }
0xa5: {  	s5 =	ssub.s32 $0x0, s20;
	[sflag:s22] =	ssyncset.done $0x0  }
0xa6: {  	[sflag:s22] =	ssyncadd.s32 s5;
	_ =	sdelay $0x1  }
0xa7: {  	s23 =	simm.s32 $0x1B8B  }
0xa8: {  	_ =	swait.ge [sflag:s23], $0x1  }
0xa9: {  	[sflag:s23] =	ssyncset.done $0x0  }
0xaa: {  	s25 =	simm.s32 $0x1B8E;
	s24 =	sld [smem:$0x3FFE];
	[sflag:s23] =	ssyncadd.s32 $0xFFFFFFFF  }
0xab: {  	s26 =	simm.s32 $execute0_lowered;
	[smem:$0x3FD2] =	sst s25  }
0xac: {  	s6 =	sshll.u32 s26, $0x1;
	_ =	strace $0x80000049;
	[dreg:$0x1] =	wrdreg $0xFFFFFFFF  }
0xad: {  	s28 =	simm.s32 $_size_execute0_lowered;
	s4 =	sadd.s32 s4, s6;
	[dreg:$0x0] =	wrdreg $0x0  }
0xae: {  	s6 =	sshll.u32 s28, $0x1;
	[dreg:$0x2] =	wrdreg s4  }
0xaf: {  	[dreg:$0x3] =	wrdreg s6  }
0xb0: {  	[dreg:$0x4] =	wrdreg $0xC0  }
0xb1: {  	_ =	task [dreg:s8], $0x5FFFF  }
0xb2: {  	[dreg:$0x1] =	wrdreg $0xFFFFFFFF  }
0xb3: {  	[dreg:$0x0] =	wrdreg $0x60  }
0xb4: {  	[dreg:$0x2] =	wrdreg s24  }
0xb5: {  	[dreg:$0x3] =	wrdreg s17  }
0xb6: {  	[dreg:$0x4] =	wrdreg s16  }
0xb7: {  	[dreg:$0x5] =	wrdreg $0x0  }
0xb8: {  	[dreg:$0x6] =	wrdreg $0x9  }
0xb9: {  	_ =	task.clear_ibuf [dreg:s8], $0x7FFFF;
	_ =	strace $0x90000049  }
0xba: {  	s29 =	simm.s32 $0x9;
	_ =	strace $0x8000004B  }
0xbb: {  	_ =	swait.ge [sflag:s29], $0x1  }
0xbc: {  	[sflag:s29] =	ssyncadd.s32 $0xFFFFFFFF  }
0xbd: {  	_ =	strace $0x9000004B  }
0xbe: {  	_ =	sfence  }
0xbf: {  	s30 =	sld [smem:$0x0];
	_ =	sdelay $0x2  }
0xc0: {  	s31 =	sshll.u32 s1, $0xD;
	s1 =	sshrl.u32 s1, $0x2  }
0xc1: {  	s3 =	sand.u32 $0x4000, s31;
	s1 =	sadd.s32 s1, s30  }
0xc2: {  	s0 =	sor.u32 s3, s0;
	s1 =	sshll.u32 s1, $0x11  }
0xc3: {  	s0 =	sor.u32 s1, s0  }
0xc4: {  	s0 =	sadd.s32 $0x8F2B, s0  }
0xc5: {  	[sflag:s0] =	ssyncadd.remote.s32 $0x1  }
0xc6: {  	_ =	sfence.sel $0xFFFF  }
0xc7: {  	[dreg:$0x0] =	wrdreg $0xFFFFFFFF;
	(pc) =	sbr.abs _section_cstart, $3  }
0xc8: {  	[dreg:$0x1] =	wrdreg $0xFFFFFFFF  }
0xc9: {  	_ =	task.clear_ibuf [dreg:s8], $0x2FFFF;
	_ =	strace $0x9FFFFFFF  }
0xca: {  	(tm) =	ssettm $0x7FFFFFFF  }
0xcb: {  	_ =	shalt  }
tec
execute0_lowered:
.L_overlay_start_1:
0x0: {  	(tag) =	ssettag $0x1  }
0x1: {  	s5 =	rddreg [dreg:$0x0]  }
0x2: {  	s16 =	rddreg [dreg:$0x1]  }
0x3: {  	s17 =	rddreg [dreg:$0x2];
	s1 =	srdreg.scid  }
0x4: {  	s0 =	stileid.u32;
	s2 =	rddreg [dreg:$0x3]  }
0x5: {  	s3 =	simm.s32 $0x0;
	s20 =	simm.s32 $0x14000;
	s4 =	smul.u32 $0x280, s0  }
0x6: {  	s21 =	simm.s32 $0x14080;
	s22 =	simm.s32 $0x80;
	s8 =	smul.u32 $0x50000, s0  }
0x7: {  	s23 =	simm.s32 $0x14100;
	s24 =	simm.s32 $0x1;
	s14 =	smul.u32 $0x4F00, s0  }
0x8: {  	s6 =	sand.u32 $0x1, s1;
	s1 =	rddreg [dreg:$0x4];
	s19 =	smul.u32 $0x9E0, s0  }
0x9: {  	s25 =	simm.s32 $0x0;
	[smem:$0x7FF] =	sst s3;
	s7 =	smul.u32 $0x2800, s6  }
0xa: {  	_ =	strace $0x8000004A;
	s9 =	ssub.s32 $0x2, s6;
	s13 =	smul.u32 $0x4F000, s6  }
0xb: {  	s29 =	sshrl.u32 s9, $0x1;
	s30 =	sshrl.u32 s8, $0x2;
	s17 =	sadd.s32 s19, s17  }
0xc: {  	s19 =	simm.s32 $0x2;
	s7 =	sadd.s32 s4, s7;
	s4 =	sadd.s32 $0x2A600, s5  }
0xd: {  	s31 =	ssub.s32 s9, s29;
	s14 =	sadd.s32 s14, s13;
	s7 =	sshll.u32 s7, $0x4  }
0xe: {  	s18 =	sshrl.u32 s14, $0x3;
	s15 =	sadd.s32 s7, s5;
	s5 =	sadd.s32 s30, s2  }
0xf: {  	s7 =	smax.u32 s31, $0x1;
	s16 =	sadd.s32 s18, s16;
	s18 =	simm.s32 $0x18100  }
0x10: {  	s6 =	sadd.s32 $0x7A600, s15;
	s8 =	sadd.s32 $0x4000, s5;
	s9 =	sadd.s32 $0x8000, s5  }
0x11: {  	s10 =	sadd.s32 $0xC000, s5;
	s11 =	sadd.s32 $0x10000, s5;
	s12 =	sadd.s32 $0x7AE00, s15  }
0x12: {  	v0 =	vimm.f32 $0.0e+00;
	s13 =	sadd.s32 $0x7B600, s15;
	s14 =	sadd.s32 $0x7BE00, s15;
	s15 =	sadd.s32 $0x7C600, s15  }
.LBB2_1:
0x13: {  	s26 =	simm.s32 $0x0;
	s28 =	simm.s32 $0x200  }
.LBB2_2:
0x14: {  	p0 =	sne.s32 s28, $0xFE00;
	[tilespmem:s26+$0x18170] =	vst v0  }
0x15: {  	[tilespmem:s26+$0x18100] =	vst v0  }
0x16: {  	[tilespmem:s26+$0x18110] =	vst v0  }
.Ltmp0:
0x17: {  	[tilespmem:s26+$0x18120] =	vst v0;
	(pc) =	sbr.rel @p0 .LBB2_2-.Ltmp0, $4  }
0x18: {  	[tilespmem:s26+$0x18130] =	vst v0  }
0x19: {  	[tilespmem:s26+$0x18140] =	vst v0  }
0x1a: {  	[tilespmem:s26+$0x18150] =	vst v0  }
0x1b: {  	[tilespmem:s26+$0x18160] =	vst v0;
	s26 =	sshra.s32 s28, $0x2;
	s28 =	sadd.s32 $0x200, s28  }
0x1c: {  	[tilespmem:s26+$0x18170] =	vst v0  }
0x1d: {  	[tilespmem:s26+$0x18100] =	vst v0  }
0x1e: {  	[tilespmem:s26+$0x18110] =	vst v0  }
0x1f: {  	[tilespmem:s26+$0x18120] =	vst v0  }
0x20: {  	[tilespmem:s26+$0x18130] =	vst v0  }
0x21: {  	[tilespmem:s26+$0x18140] =	vst v0  }
0x22: {  	[tilespmem:s26+$0x18150] =	vst v0  }
0x23: {  	[tilespmem:s26+$0x18160] =	vst v0  }
0x24: {  	[spmem:s5] =	stream.linear.scatter [tilespmem:s18], [sflag:$0x2], $0x4000, $0x38;
	[tilespmem:$0x1C100] =	vst v63  }
0x25: {  	_ =	swait.ge [sflag:s19], $0x4000  }
0x26: {  	[sflag:s19] =	ssyncset.done $0x0  }
0x27: {  	[sflag:s19] =	ssyncadd.s32 $0xFFFFC000  }
0x28: {  	[spmem:s8] =	stream.linear.scatter [tilespmem:s18], [sflag:$0x2], $0x4000, $0x38;
	[tilespmem:$0x1C100] =	vst v63  }
0x29: {  	_ =	swait.ge [sflag:s19], $0x4000  }
0x2a: {  	[sflag:s19] =	ssyncset.done $0x0  }
0x2b: {  	[sflag:s19] =	ssyncadd.s32 $0xFFFFC000  }
0x2c: {  	[spmem:s9] =	stream.linear.scatter [tilespmem:s18], [sflag:$0x2], $0x4000, $0x38;
	[tilespmem:$0x1C100] =	vst v63  }
0x2d: {  	_ =	swait.ge [sflag:s19], $0x4000  }
0x2e: {  	[sflag:s19] =	ssyncset.done $0x0  }
0x2f: {  	[sflag:s19] =	ssyncadd.s32 $0xFFFFC000  }
0x30: {  	[spmem:s10] =	stream.linear.scatter [tilespmem:s18], [sflag:$0x2], $0x4000, $0x38;
	[tilespmem:$0x1C100] =	vst v63  }
0x31: {  	_ =	swait.ge [sflag:s19], $0x4000  }
0x32: {  	[sflag:s19] =	ssyncset.done $0x0  }
0x33: {  	[sflag:s19] =	ssyncadd.s32 $0xFFFFC000  }
0x34: {  	[spmem:s11] =	stream.linear.scatter [tilespmem:s18], [sflag:$0x2], $0x4000, $0x38;
	[tilespmem:$0x1C100] =	vst v63  }
0x35: {  	_ =	swait.ge [sflag:s19], $0x4000  }
0x36: {  	[sflag:s19] =	ssyncset.done $0x0  }
0x37: {  	[sflag:s19] =	ssyncadd.s32 $0xFFFFC000  }
0x38: {  	s30 =	sadd.s32 $0x0, s16;
	[bflag:$0x0] =	sbarrier.arrive $0xFFFF  }
0x39: {  	[tilespmem:s20], [sflag:$0x2] =	stream.linear.gather [hbm4b:s30+s3], $0x80, $0x38;
	[tilespmem:$0x1C100] =	vst v63  }
0x3a: {  	_ =	swait.ge [sflag:s19], $0x80  }
0x3b: {  	[sflag:s19] =	ssyncset.done $0x0  }
0x3c: {  	s31 =	sadd.s32 $0x0, s17;
	[sflag:s19] =	ssyncadd.s32 $0xFFFFFF80  }
0x3d: {  	[tilespmem:s21], [sflag:$0x2] =	stream.linear.gather [hbm4b:s31+s3], $0x80, $0x38;
	[tilespmem:$0x1C100] =	vst v63  }
0x3e: {  	_ =	swait.ge [sflag:s19], $0x80  }
0x3f: {  	[sflag:s19] =	ssyncset.done $0x0  }
0x40: {  	[sflag:s19] =	ssyncadd.s32 $0xFFFFFF80  }
0x41: {  	[tilespmem:s23], [sflag:$0x1] =	stream.indirect.gather [hbm4b:s4+s22], $0x80, s20, s22, $0xb8;
	[tilespmem:$0x1C100] =	vst v63  }
0x42: {  	_ =	swait.ge [sflag:s24], $0x4000  }
0x43: {  	[sflag:s24] =	ssyncset.done $0x0  }
0x44: {  	[sflag:s24] =	ssyncadd.s32 $0xFFFFC000  }
0x45: {  	[spmem:s2] =	stream.indirect.scatter.add.f32 [tilespmem:s23], [sflag:$0x2], $0x80, s21, s22, $0xb8;
	[tilespmem:$0x1C100] =	vst v63  }
0x46: {  	_ =	swait.ge [sflag:s19], $0x4000  }
0x47: {  	s26 =	simm.s32 $0x10;
	s28 =	simm.s32 $0x20;
	[sflag:s19] =	ssyncset.done $0x0  }
.LBB2_4:
0x48: {  	s29 =	sadd.s32 s26, s16  }
0x49: {  	[sflag:s19] =	ssyncadd.s32 $0xFFFFC000;
	s30 =	smov.u32 s28;
	s31 =	sadd.s32 $0x10, s28  }
0x4a: {  	[tilespmem:s20], [sflag:$0x2] =	stream.linear.gather [hbm4b:s29+s3], $0x80, $0x38;
	[tilespmem:$0x1C100] =	vst v63  }
0x4b: {  	p0 =	sne.s32 s28, $0x9D0;
	_ =	swait.ge [sflag:s19], $0x80  }
0x4c: {  	[sflag:s19] =	ssyncset.done $0x0  }
0x4d: {  	s28 =	sadd.s32 s26, s17;
	s26 =	smov.u32 s30;
	[sflag:s19] =	ssyncadd.s32 $0xFFFFFF80  }
0x4e: {  	[tilespmem:s21], [sflag:$0x2] =	stream.linear.gather [hbm4b:s28+s3], $0x80, $0x38;
	[tilespmem:$0x1C100] =	vst v63  }
0x4f: {  	_ =	swait.ge [sflag:s19], $0x80  }
0x50: {  	[sflag:s19] =	ssyncset.done $0x0  }
0x51: {  	[sflag:s19] =	ssyncadd.s32 $0xFFFFFF80  }
0x52: {  	[tilespmem:s23], [sflag:$0x1] =	stream.indirect.gather [hbm4b:s4+s22], $0x80, s20, s22, $0xb8;
	[tilespmem:$0x1C100] =	vst v63  }
0x53: {  	_ =	swait.ge [sflag:s24], $0x4000  }
.Ltmp1:
0x54: {  	[sflag:s24] =	ssyncset.done $0x0;
	(pc) =	sbr.rel @p0 .LBB2_4-.Ltmp1, $4  }
0x55: {  	[sflag:s24] =	ssyncadd.s32 $0xFFFFC000  }
0x56: {  	[spmem:s2] =	stream.indirect.scatter.add.f32 [tilespmem:s23], [sflag:$0x2], $0x80, s21, s22, $0xb8;
	[tilespmem:$0x1C100] =	vst v63  }
0x57: {  	_ =	swait.ge [sflag:s19], $0x4000  }
0x58: {  	s28 =	smov.u32 s31;
	[sflag:s19] =	ssyncset.done $0x0  }
0x59: {  	s28 =	sadd.s32 s26, s16;
	[sflag:s19] =	ssyncadd.s32 $0xFFFFC000  }
0x5a: {  	[tilespmem:s20], [sflag:$0x2] =	stream.linear.gather [hbm4b:s28+s3], $0x80, $0x38;
	[tilespmem:$0x1C100] =	vst v63  }
0x5b: {  	_ =	swait.ge [sflag:s19], $0x80  }
0x5c: {  	[sflag:s19] =	ssyncset.done $0x0  }
0x5d: {  	s28 =	sadd.s32 s26, s17;
	[sflag:s19] =	ssyncadd.s32 $0xFFFFFF80  }
0x5e: {  	[tilespmem:s21], [sflag:$0x2] =	stream.linear.gather [hbm4b:s28+s3], $0x80, $0x38;
	[tilespmem:$0x1C100] =	vst v63  }
0x5f: {  	_ =	swait.ge [sflag:s19], $0x80  }
0x60: {  	[sflag:s19] =	ssyncset.done $0x0  }
0x61: {  	[sflag:s19] =	ssyncadd.s32 $0xFFFFFF80  }
0x62: {  	[tilespmem:s23], [sflag:$0x1] =	stream.indirect.gather [hbm4b:s4+s22], $0x80, s20, s22, $0xb8;
	[tilespmem:$0x1C100] =	vst v63  }
0x63: {  	_ =	swait.ge [sflag:s24], $0x4000  }
0x64: {  	[sflag:s24] =	ssyncset.done $0x0  }
0x65: {  	[sflag:s24] =	ssyncadd.s32 $0xFFFFC000  }
0x66: {  	[spmem:s2] =	stream.indirect.scatter.add.f32 [tilespmem:s23], [sflag:$0x2], $0x80, s21, s22, $0xb8;
	[tilespmem:$0x1C100] =	vst v63  }
0x67: {  	_ =	swait.ge [sflag:s19], $0x4000  }
0x68: {  	[sflag:s19] =	ssyncset.done $0x0  }
0x69: {  	s29 =	sshll.u32 s0, $0x6;
	[sflag:s19] =	ssyncadd.s32 $0xFFFFC000  }
0x6a: {  	s30 =	sshrl.u32 s5, $0x3;
	s26 =	sor.u32 $0x1C02, s29;
	[bflag:$0x0] =	sbarrier.arrive $0xFFFF  }
0x6b: {  	[hbm:s6], [sflag:s26] =	dma.local [spmem:s30], $0x800  }
0x6c: {  	_ =	swait.ge [sflag:s19], $0x800  }
0x6d: {  	[sflag:s19] =	ssyncset.done $0x0  }
0x6e: {  	s31 =	sshrl.u32 s8, $0x3;
	[sflag:s19] =	ssyncadd.s32 $0xFFFFF800  }
0x6f: {  	[hbm:s12], [sflag:s26] =	dma.local [spmem:s31], $0x800  }
0x70: {  	_ =	swait.ge [sflag:s19], $0x800  }
0x71: {  	[sflag:s19] =	ssyncset.done $0x0  }
0x72: {  	s29 =	sshrl.u32 s9, $0x3;
	[sflag:s19] =	ssyncadd.s32 $0xFFFFF800  }
0x73: {  	[hbm:s13], [sflag:s26] =	dma.local [spmem:s29], $0x800  }
0x74: {  	_ =	swait.ge [sflag:s19], $0x800  }
0x75: {  	[sflag:s19] =	ssyncset.done $0x0  }
0x76: {  	s30 =	sshrl.u32 s10, $0x3;
	[sflag:s19] =	ssyncadd.s32 $0xFFFFF800  }
0x77: {  	[hbm:s14], [sflag:s26] =	dma.local [spmem:s30], $0x800  }
0x78: {  	s25 =	sadd.s32 $0x1, s25;
	_ =	swait.ge [sflag:s19], $0x800  }
0x79: {  	p0 =	sne.s32 s25, s7;
	[sflag:s19] =	ssyncset.done $0x0  }
.Ltmp2:
0x7a: {  	s31 =	sshrl.u32 s11, $0x3;
	[sflag:s19] =	ssyncadd.s32 $0xFFFFF800;
	(pc) =	sbr.rel @p0 .LBB2_1-.Ltmp2, $4  }
0x7b: {  	[hbm:s15], [sflag:s26] =	dma.local [spmem:s31], $0x800  }
0x7c: {  	_ =	swait.ge [sflag:s19], $0x800  }
0x7d: {  	[sflag:s19] =	ssyncset.done $0x0  }
0x7e: {  	[sflag:s19] =	ssyncadd.s32 $0xFFFFF800  }
0x7f: {  	_ =	sfence.sel $0x180000  }
0x80: {  	[bflag:$0x0] =	sbarrier.arrive $0xFFFF  }
0x81: {  	p0 =	sne.s32 s0, $0x0;
	_ =	strace $0x9000004A  }
0x82: {  	s0 =	sadd.s32 @!p0 $0x100000, s1;
	[bflag:$0x2] =	sbarrier.arrive $0xFFFF  }
0x83: {  	[sflag:s0] =	ssyncadd.tile.s32 @!p0 $0x1;
	_ =	shalt  }
.Lfunc_end2:
_tile_overlayer_lowered:
.L_overlay_start_2:
0x84: {  	(tag) =	ssettag $0x2  }
0x85: {  	s0 =	rddreg [dreg:$0x0];
	s2 =	stileid.u32  }
0x86: {  	s1 =	rddreg [dreg:$0x1];
	p0 =	sne.s32 s2, $0x0  }
0x87: {  	s3 =	rddreg [dreg:$0x2];
	[bflag:$0x3] =	sbarrier.arrive $0xFFFF;
	s2 =	simm.s32 @!p0 $0x1C02  }
0x88: {  	[timem:s3], [sflag:s2] =	dma.local @!p0 [hbm:s0], s1  }
0x89: {  	s0 =	simm.s32 @!p0 $0x2  }
0x8a: {  	_ =	swait.ge @!p0 [sflag:s0], s1  }
0x8b: {  	s1 =	ssub.s32 @!p0 $0x0, s1;
	[sflag:s0] =	ssyncset.done @!p0 $0x0  }
0x8c: {  	[sflag:s0] =	ssyncadd.s32 @!p0 s1  }
0x8d: {  	[bflag:$0x3] =	sbarrier.arrive $0xFFFF  }
0x8e: {  	_ =	shalt  }

</sc_bundles>
